<compile_context>
chip_gen: v7x
topology: tpu7x:2x2x1
jax: 0.10.2.dev20260603
libtpu: 0.0.44.dev20260713+nightly
codegen_flags: <defaults>
</compile_context>

<pallas_src>
import functools

import jax
import jax.numpy as jnp
from jax import lax
from jax.experimental import pallas as pl
from jax.experimental.pallas import tpu as pltpu
from jax.experimental.pallas import tpu_sc as plsc

_B = 16
_S = 2048
_Q = 50
_D = 512
_NSUB = 32
_QPW = (_B * _Q) // _NSUB
_OUTW = 32
_LANES = 16
_GROUPS = (13, 12)
_NGRP = len(_GROUPS)


def _cost_body(w_ref, f_ref, o_ref):
    o_ref[...] = jax.lax.dot_general(
        w_ref[...], f_ref[...],
        dimension_numbers=(((1,), (1,)), ((), ())),
        preferred_element_type=jnp.float32,
    )


def _sc_logits(cost_flat, questions_flat):
    mesh = plsc.VectorSubcoreMesh(core_axis_name="c", subcore_axis_name="s")

    @functools.partial(
        pl.kernel,
        mesh=mesh,
        compiler_params=pltpu.CompilerParams(needs_layout_passes=False),
        out_type=jax.ShapeDtypeStruct((_NSUB * _OUTW,), jnp.float32),
        scratch_types=[
            pltpu.VMEM((_QPW * _S,), jnp.float32),
            pltpu.VMEM((_S,), jnp.float32),
            pltpu.VMEM((_OUTW * _LANES,), jnp.float32),
            pltpu.VMEM((_OUTW,), jnp.float32),
        ] + [pltpu.SemaphoreType.DMA] * (_NGRP + 1),
    )
    def k(q_hbm, c_hbm, out_hbm, qv, cv, ab, lv, *sems):
        wid = lax.axis_index("s") * 2 + lax.axis_index("c")
        b = wid // 2
        base = wid * (_QPW * _S)
        hc = pltpu.async_copy(c_hbm.at[pl.ds(b * _S, _S)], cv, sems[_NGRP])
        offs = [sum(_GROUPS[:g]) for g in range(_NGRP)]
        hs = [
            pltpu.async_copy(
                q_hbm.at[pl.ds(base + offs[g] * _S, _GROUPS[g] * _S)],
                qv.at[pl.ds(offs[g] * _S, _GROUPS[g] * _S)], sems[g])
            for g in range(_NGRP)
        ]
        hc.wait()
        zeros = jnp.zeros((_LANES,), jnp.float32)
        for g in range(_NGRP):
            hs[g].wait()

            def body(j2, accs, _buf=offs[g] * _S, _n=_GROUPS[g]):
                for u in range(4):
                    j = j2 * 4 + u
                    cc = cv[pl.ds(j * _LANES, _LANES)]
                    accs = tuple(
                        accs[qi] + cc * qv[pl.ds(_buf + qi * _S + j * _LANES,
                                                 _LANES)]
                        for qi in range(_n))
                return accs
            accs = lax.fori_loop(0, _S // _LANES // 4, body,
                                 (zeros,) * _GROUPS[g])
            for qi in range(_GROUPS[g]):
                ab[pl.ds((offs[g] + qi) * _LANES, _LANES)] = accs[qi]
        for qi in range(_QPW, _OUTW):
            ab[pl.ds(qi * _LANES, _LANES)] = zeros
        lane = lax.iota(jnp.int32, _LANES)
        for g in range(_OUTW // _LANES):
            idx0 = (lane + g * _LANES) * _LANES
            tot = zeros
            for t in range(_LANES):
                tot = tot + plsc.load_gather(ab, [idx0 + t])
            lv[pl.ds(g * _LANES, _LANES)] = tot
        pltpu.sync_copy(lv, out_hbm.at[pl.ds(wid * _OUTW, _OUTW)])

    return k(questions_flat, cost_flat)


def kernel(problem_features, W, questions_flat, sc_row_splits,
           q_outer_splits, q_inner_splits):
    del sc_row_splits, q_outer_splits, q_inner_splits
    _RBLK = 4096
    cost = pl.pallas_call(
        _cost_body,
        grid=(_B * _S // _RBLK,),
        in_specs=[
            pl.BlockSpec((1, _D), lambda i: (0, 0)),
            pl.BlockSpec((_RBLK, _D), lambda i: (i, 0)),
        ],
        out_specs=pl.BlockSpec((1, _RBLK), lambda i: (0, i)),
        out_shape=jax.ShapeDtypeStruct((1, _B * _S), jnp.float32),
    )(W.reshape(1, _D), problem_features)
    padded = _sc_logits(cost.reshape(_B * _S), questions_flat)
    return padded.reshape(_NSUB, _OUTW)[:, :_QPW].reshape(_B * _Q)

# --- scband reference (transcript-rebuilt; emitter-appended) ---
"""Pipeline reference for scband-question-logit-model-2920577761735 (READ-ONLY COPY).

The authoritative reference and input builder live on the scoring server;
editing this copy changes nothing except your own understanding.
"""

import jax, jax.numpy as jnp
import numpy as np

B = 16      # problems
S = 2048    # symbols per problem
Q = 50      # questions per problem
D = 512     # symbol feature dim (symbol_cost_model input)


def setup_inputs(seed: int = 0) -> dict:
    key = jax.random.key(seed)
    k1, k2, k3 = jax.random.split(key, 3)
    total_symbols = B * S
    total_questions = B * Q
    problem_features = jax.random.normal(k1, (total_symbols, D), dtype=jnp.float32)
    # learned parameter of the (simplified) symbol_cost_model: linear features -> scalar cost
    W = jax.random.normal(k2, (D,), dtype=jnp.float32) * 0.02
    # questions ragged [B, (Q), (S)] flat values
    questions_flat = jax.random.normal(k3, (total_questions * S,), dtype=jnp.float32)
    sc_row_splits = jnp.arange(B + 1, dtype=jnp.int32) * S          # symbol_costs.row_splits
    q_outer_splits = jnp.arange(B + 1, dtype=jnp.int32) * Q         # questions outer row_splits
    q_inner_splits = jnp.arange(total_questions + 1, dtype=jnp.int32) * S  # per-question row_splits
    return {
        "problem_features": problem_features,
        "W": W,
        "questions_flat": questions_flat,
        "sc_row_splits": sc_row_splits,
        "q_outer_splits": q_outer_splits,
        "q_inner_splits": q_inner_splits,
    }


def reference(problem_features, W, questions_flat, sc_row_splits, q_outer_splits, q_inner_splits):
    # symbol_cost_model(problems): ragged symbol costs, flat_values [total_symbols]
    symbol_costs_flat = problem_features @ W

    # costs_to_logits (faithful to the TF ragged implementation):
    # starts/limits = repeat(symbol_costs.row_splits, questions.row_lengths())
    q_lengths = q_outer_splits[1:] - q_outer_splits[:-1]           # questions per problem
    starts = jnp.repeat(sc_row_splits[:-1], q_lengths,
                        total_repeat_length=q_inner_splits.shape[0] - 1)  # [total_questions]

    # tf.ragged.range(starts, limits) -> flat gather indices, aligned with questions_flat
    inner_lengths = q_inner_splits[1:] - q_inner_splits[:-1]       # symbols per question
    total_questions = starts.shape[0]
    seg_ids = jnp.repeat(jnp.arange(total_questions), inner_lengths,
                         total_repeat_length=questions_flat.shape[0])   # question id per flat entry
    offsets = jnp.arange(questions_flat.shape[0]) - jnp.repeat(
        q_inner_splits[:-1], inner_lengths, total_repeat_length=questions_flat.shape[0])
    gather_idx = starts[seg_ids] + offsets

    # sc_tiled = tf.gather(symbol_costs.flat_values, indices)
    sc_tiled = jnp.take(symbol_costs_flat, gather_idx, axis=0)

    # potentials = map_flat_values(multiply, questions, sc_like_questions)
    potentials = questions_flat * sc_tiled

    # logits = reduce_sum(potentials, axis=2) -> flat_values of ragged [B,(Q)]
    logits = jax.ops.segment_sum(potentials, seg_ids, num_segments=total_questions)
    return logits

if __name__ == "__main__":
    import jax
    _d = setup_inputs()
    print(jax.jit(kernel)(*tuple(_d.values())))

</pallas_src>

<mosaic_0001>
#map = affine_map<(d0, d1) -> (0)>
module attributes {stable_mosaic.version = 14 : i64} {
  func.func @k(%arg0: i32, %arg1: i32, %arg2: memref<1638400xf32, #tpu.memory_space<hbm>>, %arg3: memref<32768xf32, #tpu.memory_space<hbm>>, %arg4: memref<1024xf32, #tpu.memory_space<hbm>>, %arg5: memref<51200xf32, #tpu.memory_space<vmem>>, %arg6: memref<2048xf32, #tpu.memory_space<vmem>>, %arg7: memref<512xf32, #tpu.memory_space<vmem>>, %arg8: memref<32xf32, #tpu.memory_space<vmem>>, %arg9: memref<!tpu.dma_semaphore, #tpu.memory_space<semaphore_mem>>, %arg10: memref<!tpu.dma_semaphore, #tpu.memory_space<semaphore_mem>>, %arg11: memref<!tpu.dma_semaphore, #tpu.memory_space<semaphore_mem>>) attributes {dimension_semantics = [#tpu.dimension_semantics<core_parallel>, #tpu.dimension_semantics<subcore_parallel>], iteration_bounds = array<i64: 2, 16>, scalar_prefetch = 0 : i64, scratch_operands = 7 : i64, tpu.core_type = #tpu.core_type<sc_vector_subcore>, window_params = [{transform_indices = #map}, {transform_indices = #map}, {transform_indices = #map}]} {
    %mul3A = arith.constant 2 : i32
    %mul3A_0 = arith.muli %arg1, %mul3A : i32
    %add3A = arith.addi %mul3A_0, %arg0 : i32
    %jit3A = arith.constant 2 : i32
    %div3A = arith.divsi %add3A, %jit3A : i32
    %sign3A = arith.constant 0 : i32
    %sign3A_1 = arith.cmpi sgt, %add3A, %sign3A : i32
    %sign3A_2 = arith.extui %sign3A_1 : i1 to i32
    %sign3A_3 = arith.constant 0 : i32
    %sign3A_4 = arith.cmpi slt, %add3A, %sign3A_3 : i32
    %sign3A_5 = arith.extui %sign3A_4 : i1 to i32
    %sign3A_6 = arith.subi %sign3A_2, %sign3A_5 : i32
    %sign3A_7 = arith.constant 0 : i32
    %sign3A_8 = arith.cmpi sgt, %jit3A, %sign3A_7 : i32
    %sign3A_9 = arith.extui %sign3A_8 : i1 to i32
    %sign3A_10 = arith.constant 0 : i32
    %sign3A_11 = arith.cmpi slt, %jit3A, %sign3A_10 : i32
    %sign3A_12 = arith.extui %sign3A_11 : i1 to i32
    %sign3A_13 = arith.subi %sign3A_9, %sign3A_12 : i32
    %ne3A = arith.cmpi ne, %sign3A_6, %sign3A_13 : i32
    %rem3A = arith.remsi %add3A, %jit3A : i32
    %ne3A_14 = arith.constant 0 : i32
    %ne3A_15 = arith.cmpi ne, %rem3A, %ne3A_14 : i32
    %and3A = arith.andi %ne3A, %ne3A_15 : i1
    %sub3A = arith.constant 1 : i32
    %sub3A_16 = arith.subi %div3A, %sub3A : i32
    %select_n3A = arith.select %and3A, %sub3A_16, %div3A : i32
    %mul3A_17 = arith.constant 51200 : i32
    %mul3A_18 = arith.muli %add3A, %mul3A_17 : i32
    %mul3A_19 = arith.constant 2048 : i32
    %mul3A_20 = arith.muli %select_n3A, %mul3A_19 : i32
    %dma_start3A = tpu.memref_slice %arg3[%mul3A_20] : memref<32768xf32, #tpu.memory_space<hbm>> -> memref<2048xf32, #tpu.memory_space<hbm>>
    %dma_start3A_21 = tpu.memref_slice %arg3[%mul3A_20] : memref<32768xf32, #tpu.memory_space<hbm>> -> memref<2048xf32, #tpu.memory_space<hbm>>
    tpu.enqueue_dma source(%dma_start3A_21 : memref<2048xf32, #tpu.memory_space<hbm>>) target(%arg6 : memref<2048xf32, #tpu.memory_space<vmem>>) target_semaphore(%arg11 : memref<!tpu.dma_semaphore, #tpu.memory_space<semaphore_mem>>)
    %add3A_22 = arith.constant 0 : i32
    %add3A_23 = arith.addi %mul3A_18, %add3A_22 : i32
    %dma_start3A_24 = arith.constant 0 : i32
    %dma_start3A_25 = tpu.memref_slice %arg5[%dma_start3A_24] : memref<51200xf32, #tpu.memory_space<vmem>> -> memref<26624xf32, #tpu.memory_space<vmem>>
    %dma_start3A_26 = tpu.memref_slice %arg2[%add3A_23] : memref<1638400xf32, #tpu.memory_space<hbm>> -> memref<26624xf32, #tpu.memory_space<hbm>>
    %dma_start3A_27 = arith.constant 0 : i32
    %dma_start3A_28 = tpu.memref_slice %arg5[%dma_start3A_27] : memref<51200xf32, #tpu.memory_space<vmem>> -> memref<26624xf32, #tpu.memory_space<vmem>>
    %dma_start3A_29 = tpu.memref_slice %arg2[%add3A_23] : memref<1638400xf32, #tpu.memory_space<hbm>> -> memref<26624xf32, #tpu.memory_space<hbm>>
    tpu.enqueue_dma source(%dma_start3A_29 : memref<26624xf32, #tpu.memory_space<hbm>>) target(%dma_start3A_28 : memref<26624xf32, #tpu.memory_space<vmem>>) target_semaphore(%arg9 : memref<!tpu.dma_semaphore, #tpu.memory_space<semaphore_mem>>)
    %add3A_30 = arith.constant 26624 : i32
    %add3A_31 = arith.addi %mul3A_18, %add3A_30 : i32
    %dma_start3A_32 = arith.constant 26624 : i32
    %dma_start3A_33 = tpu.memref_slice %arg5[%dma_start3A_32] : memref<51200xf32, #tpu.memory_space<vmem>> -> memref<24576xf32, #tpu.memory_space<vmem>>
    %dma_start3A_34 = tpu.memref_slice %arg2[%add3A_31] : memref<1638400xf32, #tpu.memory_space<hbm>> -> memref<24576xf32, #tpu.memory_space<hbm>>
    %dma_start3A_35 = arith.constant 26624 : i32
    %dma_start3A_36 = tpu.memref_slice %arg5[%dma_start3A_35] : memref<51200xf32, #tpu.memory_space<vmem>> -> memref<24576xf32, #tpu.memory_space<vmem>>
    %dma_start3A_37 = tpu.memref_slice %arg2[%add3A_31] : memref<1638400xf32, #tpu.memory_space<hbm>> -> memref<24576xf32, #tpu.memory_space<hbm>>
    tpu.enqueue_dma source(%dma_start3A_37 : memref<24576xf32, #tpu.memory_space<hbm>>) target(%dma_start3A_36 : memref<24576xf32, #tpu.memory_space<vmem>>) target_semaphore(%arg10 : memref<!tpu.dma_semaphore, #tpu.memory_space<semaphore_mem>>)
    %dma_wait3A = tpu.memref_slice %arg3[%mul3A_20] : memref<32768xf32, #tpu.memory_space<hbm>> -> memref<2048xf32, #tpu.memory_space<hbm>>
    %dma_wait3A_38 = tpu.memref_slice %arg3[%mul3A_20] : memref<32768xf32, #tpu.memory_space<hbm>> -> memref<2048xf32, #tpu.memory_space<hbm>>
    tpu.wait_dma2 semaphore(%arg11 : memref<!tpu.dma_semaphore, #tpu.memory_space<semaphore_mem>>) src(%dma_wait3A_38 : memref<2048xf32, #tpu.memory_space<hbm>>) dst(%arg6 : memref<2048xf32, #tpu.memory_space<vmem>>)
    %broadcast_in_dim3A = arith.constant 0.000000e+00 : f32
    %broadcast_in_dim3A_39 = vector.broadcast %broadcast_in_dim3A : f32 to vector<16xf32>
    %dma_wait3A_40 = arith.constant 0 : i32
    %dma_wait3A_41 = tpu.memref_slice %arg5[%dma_wait3A_40] : memref<51200xf32, #tpu.memory_space<vmem>> -> memref<26624xf32, #tpu.memory_space<vmem>>
    %dma_wait3A_42 = tpu.memref_slice %arg2[%add3A_23] : memref<1638400xf32, #tpu.memory_space<hbm>> -> memref<26624xf32, #tpu.memory_space<hbm>>
    %dma_wait3A_43 = arith.constant 0 : i32
    %dma_wait3A_44 = tpu.memref_slice %arg5[%dma_wait3A_43] : memref<51200xf32, #tpu.memory_space<vmem>> -> memref<26624xf32, #tpu.memory_space<vmem>>
    %dma_wait3A_45 = tpu.memref_slice %arg2[%add3A_23] : memref<1638400xf32, #tpu.memory_space<hbm>> -> memref<26624xf32, #tpu.memory_space<hbm>>
    tpu.wait_dma2 semaphore(%arg9 : memref<!tpu.dma_semaphore, #tpu.memory_space<semaphore_mem>>) src(%dma_wait3A_45 : memref<26624xf32, #tpu.memory_space<hbm>>) dst(%dma_wait3A_44 : memref<26624xf32, #tpu.memory_space<vmem>>)
    %scan3A = arith.constant 0 : i32
    %scan3A_46 = arith.constant 32 : i32
    %scan3A_47 = arith.addi %scan3A, %scan3A_46 : i32
    %scan3A_48 = arith.constant 1 : i32
    %scan3A_49:13 = scf.for %scan3A_303 = %scan3A to %scan3A_47 step %scan3A_48 iter_args(%scan3A_304 = %broadcast_in_dim3A_39, %scan3A_305 = %broadcast_in_dim3A_39, %scan3A_306 = %broadcast_in_dim3A_39, %scan3A_307 = %broadcast_in_dim3A_39, %scan3A_308 = %broadcast_in_dim3A_39, %scan3A_309 = %broadcast_in_dim3A_39, %scan3A_310 = %broadcast_in_dim3A_39, %scan3A_311 = %broadcast_in_dim3A_39, %scan3A_312 = %broadcast_in_dim3A_39, %scan3A_313 = %broadcast_in_dim3A_39, %scan3A_314 = %broadcast_in_dim3A_39, %scan3A_315 = %broadcast_in_dim3A_39, %scan3A_316 = %broadcast_in_dim3A_39) -> (vector<16xf32>, vector<16xf32>, vector<16xf32>, vector<16xf32>, vector<16xf32>, vector<16xf32>, vector<16xf32>, vector<16xf32>, vector<16xf32>, vector<16xf32>, vector<16xf32>, vector<16xf32>, vector<16xf32>)  : i32 {
      %mul3A_317 = arith.constant 4 : i32
      %mul3A_318 = arith.muli %scan3A_303, %mul3A_317 : i32
      %add3A_319 = arith.constant 0 : i32
      %add3A_320 = arith.addi %mul3A_318, %add3A_319 : i32
      %mul3A_321 = arith.constant 16 : i32
      %mul3A_322 = arith.muli %add3A_320, %mul3A_321 : i32
      %get3A = arith.index_cast %mul3A_322 : i32 to index
      %get3A_323 = tpu.vector_load %arg6[%get3A] {strides = array<i32>} : memref<2048xf32, #tpu.memory_space<vmem>>, vector<16xf32>,
      %mul3A_324 = arith.constant 16 : i32
      %mul3A_325 = arith.muli %add3A_320, %mul3A_324 : i32
      %add3A_326 = arith.constant 0 : i32
      %add3A_327 = arith.addi %add3A_326, %mul3A_325 : i32
      %get3A_328 = arith.index_cast %add3A_327 : i32 to index
      %get3A_329 = tpu.vector_load %arg5[%get3A_328] {strides = array<i32>} : memref<51200xf32, #tpu.memory_space<vmem>>, vector<16xf32>,
      %mul3A_330 = arith.mulf %get3A_323, %get3A_329 : vector<16xf32>
      %add3A_331 = arith.addf %scan3A_304, %mul3A_330 : vector<16xf32>
      %mul3A_332 = arith.constant 16 : i32
      %mul3A_333 = arith.muli %add3A_320, %mul3A_332 : i32
      %add3A_334 = arith.constant 2048 : i32
      %add3A_335 = arith.addi %add3A_334, %mul3A_333 : i32
      %get3A_336 = arith.index_cast %add3A_335 : i32 to index
      %get3A_337 = tpu.vector_load %arg5[%get3A_336] {strides = array<i32>} : memref<51200xf32, #tpu.memory_space<vmem>>, vector<16xf32>,
      %mul3A_338 = arith.mulf %get3A_323, %get3A_337 : vector<16xf32>
      %add3A_339 = arith.addf %scan3A_305, %mul3A_338 : vector<16xf32>
      %mul3A_340 = arith.constant 16 : i32
      %mul3A_341 = arith.muli %add3A_320, %mul3A_340 : i32
      %add3A_342 = arith.constant 4096 : i32
      %add3A_343 = arith.addi %add3A_342, %mul3A_341 : i32
      %get3A_344 = arith.index_cast %add3A_343 : i32 to index
      %get3A_345 = tpu.vector_load %arg5[%get3A_344] {strides = array<i32>} : memref<51200xf32, #tpu.memory_space<vmem>>, vector<16xf32>,
      %mul3A_346 = arith.mulf %get3A_323, %get3A_345 : vector<16xf32>
      %add3A_347 = arith.addf %scan3A_306, %mul3A_346 : vector<16xf32>
      %mul3A_348 = arith.constant 16 : i32
      %mul3A_349 = arith.muli %add3A_320, %mul3A_348 : i32
      %add3A_350 = arith.constant 6144 : i32
      %add3A_351 = arith.addi %add3A_350, %mul3A_349 : i32
      %get3A_352 = arith.index_cast %add3A_351 : i32 to index
      %get3A_353 = tpu.vector_load %arg5[%get3A_352] {strides = array<i32>} : memref<51200xf32, #tpu.memory_space<vmem>>, vector<16xf32>,
      %mul3A_354 = arith.mulf %get3A_323, %get3A_353 : vector<16xf32>
      %add3A_355 = arith.addf %scan3A_307, %mul3A_354 : vector<16xf32>
      %mul3A_356 = arith.constant 16 : i32
      %mul3A_357 = arith.muli %add3A_320, %mul3A_356 : i32
      %add3A_358 = arith.constant 8192 : i32
      %add3A_359 = arith.addi %add3A_358, %mul3A_357 : i32
      %get3A_360 = arith.index_cast %add3A_359 : i32 to index
      %get3A_361 = tpu.vector_load %arg5[%get3A_360] {strides = array<i32>} : memref<51200xf32, #tpu.memory_space<vmem>>, vector<16xf32>,
      %mul3A_362 = arith.mulf %get3A_323, %get3A_361 : vector<16xf32>
      %add3A_363 = arith.addf %scan3A_308, %mul3A_362 : vector<16xf32>
      %mul3A_364 = arith.constant 16 : i32
      %mul3A_365 = arith.muli %add3A_320, %mul3A_364 : i32
      %add3A_366 = arith.constant 10240 : i32
      %add3A_367 = arith.addi %add3A_366, %mul3A_365 : i32
      %get3A_368 = arith.index_cast %add3A_367 : i32 to index
      %get3A_369 = tpu.vector_load %arg5[%get3A_368] {strides = array<i32>} : memref<51200xf32, #tpu.memory_space<vmem>>, vector<16xf32>,
      %mul3A_370 = arith.mulf %get3A_323, %get3A_369 : vector<16xf32>
      %add3A_371 = arith.addf %scan3A_309, %mul3A_370 : vector<16xf32>
      %mul3A_372 = arith.constant 16 : i32
      %mul3A_373 = arith.muli %add3A_320, %mul3A_372 : i32
      %add3A_374 = arith.constant 12288 : i32
      %add3A_375 = arith.addi %add3A_374, %mul3A_373 : i32
      %get3A_376 = arith.index_cast %add3A_375 : i32 to index
      %get3A_377 = tpu.vector_load %arg5[%get3A_376] {strides = array<i32>} : memref<51200xf32, #tpu.memory_space<vmem>>, vector<16xf32>,
      %mul3A_378 = arith.mulf %get3A_323, %get3A_377 : vector<16xf32>
      %add3A_379 = arith.addf %scan3A_310, %mul3A_378 : vector<16xf32>
      %mul3A_380 = arith.constant 16 : i32
      %mul3A_381 = arith.muli %add3A_320, %mul3A_380 : i32
      %add3A_382 = arith.constant 14336 : i32
      %add3A_383 = arith.addi %add3A_382, %mul3A_381 : i32
      %get3A_384 = arith.index_cast %add3A_383 : i32 to index
      %get3A_385 = tpu.vector_load %arg5[%get3A_384] {strides = array<i32>} : memref<51200xf32, #tpu.memory_space<vmem>>, vector<16xf32>,
      %mul3A_386 = arith.mulf %get3A_323, %get3A_385 : vector<16xf32>
      %add3A_387 = arith.addf %scan3A_311, %mul3A_386 : vector<16xf32>
      %mul3A_388 = arith.constant 16 : i32
      %mul3A_389 = arith.muli %add3A_320, %mul3A_388 : i32
      %add3A_390 = arith.constant 16384 : i32
      %add3A_391 = arith.addi %add3A_390, %mul3A_389 : i32
      %get3A_392 = arith.index_cast %add3A_391 : i32 to index
      %get3A_393 = tpu.vector_load %arg5[%get3A_392] {strides = array<i32>} : memref<51200xf32, #tpu.memory_space<vmem>>, vector<16xf32>,
      %mul3A_394 = arith.mulf %get3A_323, %get3A_393 : vector<16xf32>
      %add3A_395 = arith.addf %scan3A_312, %mul3A_394 : vector<16xf32>
      %mul3A_396 = arith.constant 16 : i32
      %mul3A_397 = arith.muli %add3A_320, %mul3A_396 : i32
      %add3A_398 = arith.constant 18432 : i32
      %add3A_399 = arith.addi %add3A_398, %mul3A_397 : i32
      %get3A_400 = arith.index_cast %add3A_399 : i32 to index
      %get3A_401 = tpu.vector_load %arg5[%get3A_400] {strides = array<i32>} : memref<51200xf32, #tpu.memory_space<vmem>>, vector<16xf32>,
      %mul3A_402 = arith.mulf %get3A_323, %get3A_401 : vector<16xf32>
      %add3A_403 = arith.addf %scan3A_313, %mul3A_402 : vector<16xf32>
      %mul3A_404 = arith.constant 16 : i32
      %mul3A_405 = arith.muli %add3A_320, %mul3A_404 : i32
      %add3A_406 = arith.constant 20480 : i32
      %add3A_407 = arith.addi %add3A_406, %mul3A_405 : i32
      %get3A_408 = arith.index_cast %add3A_407 : i32 to index
      %get3A_409 = tpu.vector_load %arg5[%get3A_408] {strides = array<i32>} : memref<51200xf32, #tpu.memory_space<vmem>>, vector<16xf32>,
      %mul3A_410 = arith.mulf %get3A_323, %get3A_409 : vector<16xf32>
      %add3A_411 = arith.addf %scan3A_314, %mul3A_410 : vector<16xf32>
      %mul3A_412 = arith.constant 16 : i32
      %mul3A_413 = arith.muli %add3A_320, %mul3A_412 : i32
      %add3A_414 = arith.constant 22528 : i32
      %add3A_415 = arith.addi %add3A_414, %mul3A_413 : i32
      %get3A_416 = arith.index_cast %add3A_415 : i32 to index
      %get3A_417 = tpu.vector_load %arg5[%get3A_416] {strides = array<i32>} : memref<51200xf32, #tpu.memory_space<vmem>>, vector<16xf32>,
      %mul3A_418 = arith.mulf %get3A_323, %get3A_417 : vector<16xf32>
      %add3A_419 = arith.addf %scan3A_315, %mul3A_418 : vector<16xf32>
      %mul3A_420 = arith.constant 16 : i32
      %mul3A_421 = arith.muli %add3A_320, %mul3A_420 : i32
      %add3A_422 = arith.constant 24576 : i32
      %add3A_423 = arith.addi %add3A_422, %mul3A_421 : i32
      %get3A_424 = arith.index_cast %add3A_423 : i32 to index
      %get3A_425 = tpu.vector_load %arg5[%get3A_424] {strides = array<i32>} : memref<51200xf32, #tpu.memory_space<vmem>>, vector<16xf32>,
      %mul3A_426 = arith.mulf %get3A_323, %get3A_425 : vector<16xf32>
      %add3A_427 = arith.addf %scan3A_316, %mul3A_426 : vector<16xf32>
      %mul3A_428 = arith.constant 4 : i32
      %mul3A_429 = arith.muli %scan3A_303, %mul3A_428 : i32
      %add3A_430 = arith.constant 1 : i32
      %add3A_431 = arith.addi %mul3A_429, %add3A_430 : i32
      %mul3A_432 = arith.constant 16 : i32
      %mul3A_433 = arith.muli %add3A_431, %mul3A_432 : i32
      %get3A_434 = arith.index_cast %mul3A_433 : i32 to index
      %get3A_435 = tpu.vector_load %arg6[%get3A_434] {strides = array<i32>} : memref<2048xf32, #tpu.memory_space<vmem>>, vector<16xf32>,
      %mul3A_436 = arith.constant 16 : i32
      %mul3A_437 = arith.muli %add3A_431, %mul3A_436 : i32
      %add3A_438 = arith.constant 0 : i32
      %add3A_439 = arith.addi %add3A_438, %mul3A_437 : i32
      %get3A_440 = arith.index_cast %add3A_439 : i32 to index
      %get3A_441 = tpu.vector_load %arg5[%get3A_440] {strides = array<i32>} : memref<51200xf32, #tpu.memory_space<vmem>>, vector<16xf32>,
      %mul3A_442 = arith.mulf %get3A_435, %get3A_441 : vector<16xf32>
      %add3A_443 = arith.addf %add3A_331, %mul3A_442 : vector<16xf32>
      %mul3A_444 = arith.constant 16 : i32
      %mul3A_445 = arith.muli %add3A_431, %mul3A_444 : i32
      %add3A_446 = arith.constant 2048 : i32
      %add3A_447 = arith.addi %add3A_446, %mul3A_445 : i32
      %get3A_448 = arith.index_cast %add3A_447 : i32 to index
      %get3A_449 = tpu.vector_load %arg5[%get3A_448] {strides = array<i32>} : memref<51200xf32, #tpu.memory_space<vmem>>, vector<16xf32>,
      %mul3A_450 = arith.mulf %get3A_435, %get3A_449 : vector<16xf32>
      %add3A_451 = arith.addf %add3A_339, %mul3A_450 : vector<16xf32>
      %mul3A_452 = arith.constant 16 : i32
      %mul3A_453 = arith.muli %add3A_431, %mul3A_452 : i32
      %add3A_454 = arith.constant 4096 : i32
      %add3A_455 = arith.addi %add3A_454, %mul3A_453 : i32
      %get3A_456 = arith.index_cast %add3A_455 : i32 to index
      %get3A_457 = tpu.vector_load %arg5[%get3A_456] {strides = array<i32>} : memref<51200xf32, #tpu.memory_space<vmem>>, vector<16xf32>,
      %mul3A_458 = arith.mulf %get3A_435, %get3A_457 : vector<16xf32>
      %add3A_459 = arith.addf %add3A_347, %mul3A_458 : vector<16xf32>
      %mul3A_460 = arith.constant 16 : i32
      %mul3A_461 = arith.muli %add3A_431, %mul3A_460 : i32
      %add3A_462 = arith.constant 6144 : i32
      %add3A_463 = arith.addi %add3A_462, %mul3A_461 : i32
      %get3A_464 = arith.index_cast %add3A_463 : i32 to index
      %get3A_465 = tpu.vector_load %arg5[%get3A_464] {strides = array<i32>} : memref<51200xf32, #tpu.memory_space<vmem>>, vector<16xf32>,
      %mul3A_466 = arith.mulf %get3A_435, %get3A_465 : vector<16xf32>
      %add3A_467 = arith.addf %add3A_355, %mul3A_466 : vector<16xf32>
      %mul3A_468 = arith.constant 16 : i32
      %mul3A_469 = arith.muli %add3A_431, %mul3A_468 : i32
      %add3A_470 = arith.constant 8192 : i32
      %add3A_471 = arith.addi %add3A_470, %mul3A_469 : i32
      %get3A_472 = arith.index_cast %add3A_471 : i32 to index
      %get3A_473 = tpu.vector_load %arg5[%get3A_472] {strides = array<i32>} : memref<51200xf32, #tpu.memory_space<vmem>>, vector<16xf32>,
      %mul3A_474 = arith.mulf %get3A_435, %get3A_473 : vector<16xf32>
      %add3A_475 = arith.addf %add3A_363, %mul3A_474 : vector<16xf32>
      %mul3A_476 = arith.constant 16 : i32
      %mul3A_477 = arith.muli %add3A_431, %mul3A_476 : i32
      %add3A_478 = arith.constant 10240 : i32
      %add3A_479 = arith.addi %add3A_478, %mul3A_477 : i32
      %get3A_480 = arith.index_cast %add3A_479 : i32 to index
      %get3A_481 = tpu.vector_load %arg5[%get3A_480] {strides = array<i32>} : memref<51200xf32, #tpu.memory_space<vmem>>, vector<16xf32>,
      %mul3A_482 = arith.mulf %get3A_435, %get3A_481 : vector<16xf32>
      %add3A_483 = arith.addf %add3A_371, %mul3A_482 : vector<16xf32>
      %mul3A_484 = arith.constant 16 : i32
      %mul3A_485 = arith.muli %add3A_431, %mul3A_484 : i32
      %add3A_486 = arith.constant 12288 : i32
      %add3A_487 = arith.addi %add3A_486, %mul3A_485 : i32
      %get3A_488 = arith.index_cast %add3A_487 : i32 to index
      %get3A_489 = tpu.vector_load %arg5[%get3A_488] {strides = array<i32>} : memref<51200xf32, #tpu.memory_space<vmem>>, vector<16xf32>,
      %mul3A_490 = arith.mulf %get3A_435, %get3A_489 : vector<16xf32>
      %add3A_491 = arith.addf %add3A_379, %mul3A_490 : vector<16xf32>
      %mul3A_492 = arith.constant 16 : i32
      %mul3A_493 = arith.muli %add3A_431, %mul3A_492 : i32
      %add3A_494 = arith.constant 14336 : i32
      %add3A_495 = arith.addi %add3A_494, %mul3A_493 : i32
      %get3A_496 = arith.index_cast %add3A_495 : i32 to index
      %get3A_497 = tpu.vector_load %arg5[%get3A_496] {strides = array<i32>} : memref<51200xf32, #tpu.memory_space<vmem>>, vector<16xf32>,
      %mul3A_498 = arith.mulf %get3A_435, %get3A_497 : vector<16xf32>
      %add3A_499 = arith.addf %add3A_387, %mul3A_498 : vector<16xf32>
      %mul3A_500 = arith.constant 16 : i32
      %mul3A_501 = arith.muli %add3A_431, %mul3A_500 : i32
      %add3A_502 = arith.constant 16384 : i32
      %add3A_503 = arith.addi %add3A_502, %mul3A_501 : i32
      %get3A_504 = arith.index_cast %add3A_503 : i32 to index
      %get3A_505 = tpu.vector_load %arg5[%get3A_504] {strides = array<i32>} : memref<51200xf32, #tpu.memory_space<vmem>>, vector<16xf32>,
      %mul3A_506 = arith.mulf %get3A_435, %get3A_505 : vector<16xf32>
      %add3A_507 = arith.addf %add3A_395, %mul3A_506 : vector<16xf32>
      %mul3A_508 = arith.constant 16 : i32
      %mul3A_509 = arith.muli %add3A_431, %mul3A_508 : i32
      %add3A_510 = arith.constant 18432 : i32
      %add3A_511 = arith.addi %add3A_510, %mul3A_509 : i32
      %get3A_512 = arith.index_cast %add3A_511 : i32 to index
      %get3A_513 = tpu.vector_load %arg5[%get3A_512] {strides = array<i32>} : memref<51200xf32, #tpu.memory_space<vmem>>, vector<16xf32>,
      %mul3A_514 = arith.mulf %get3A_435, %get3A_513 : vector<16xf32>
      %add3A_515 = arith.addf %add3A_403, %mul3A_514 : vector<16xf32>
      %mul3A_516 = arith.constant 16 : i32
      %mul3A_517 = arith.muli %add3A_431, %mul3A_516 : i32
      %add3A_518 = arith.constant 20480 : i32
      %add3A_519 = arith.addi %add3A_518, %mul3A_517 : i32
      %get3A_520 = arith.index_cast %add3A_519 : i32 to index
      %get3A_521 = tpu.vector_load %arg5[%get3A_520] {strides = array<i32>} : memref<51200xf32, #tpu.memory_space<vmem>>, vector<16xf32>,
      %mul3A_522 = arith.mulf %get3A_435, %get3A_521 : vector<16xf32>
      %add3A_523 = arith.addf %add3A_411, %mul3A_522 : vector<16xf32>
      %mul3A_524 = arith.constant 16 : i32
      %mul3A_525 = arith.muli %add3A_431, %mul3A_524 : i32
      %add3A_526 = arith.constant 22528 : i32
      %add3A_527 = arith.addi %add3A_526, %mul3A_525 : i32
      %get3A_528 = arith.index_cast %add3A_527 : i32 to index
      %get3A_529 = tpu.vector_load %arg5[%get3A_528] {strides = array<i32>} : memref<51200xf32, #tpu.memory_space<vmem>>, vector<16xf32>,
      %mul3A_530 = arith.mulf %get3A_435, %get3A_529 : vector<16xf32>
      %add3A_531 = arith.addf %add3A_419, %mul3A_530 : vector<16xf32>
      %mul3A_532 = arith.constant 16 : i32
      %mul3A_533 = arith.muli %add3A_431, %mul3A_532 : i32
      %add3A_534 = arith.constant 24576 : i32
      %add3A_535 = arith.addi %add3A_534, %mul3A_533 : i32
      %get3A_536 = arith.index_cast %add3A_535 : i32 to index
      %get3A_537 = tpu.vector_load %arg5[%get3A_536] {strides = array<i32>} : memref<51200xf32, #tpu.memory_space<vmem>>, vector<16xf32>,
      %mul3A_538 = arith.mulf %get3A_435, %get3A_537 : vector<16xf32>
      %add3A_539 = arith.addf %add3A_427, %mul3A_538 : vector<16xf32>
      %mul3A_540 = arith.constant 4 : i32
      %mul3A_541 = arith.muli %scan3A_303, %mul3A_540 : i32
      %add3A_542 = arith.constant 2 : i32
      %add3A_543 = arith.addi %mul3A_541, %add3A_542 : i32
      %mul3A_544 = arith.constant 16 : i32
      %mul3A_545 = arith.muli %add3A_543, %mul3A_544 : i32
      %get3A_546 = arith.index_cast %mul3A_545 : i32 to index
      %get3A_547 = tpu.vector_load %arg6[%get3A_546] {strides = array<i32>} : memref<2048xf32, #tpu.memory_space<vmem>>, vector<16xf32>,
      %mul3A_548 = arith.constant 16 : i32
      %mul3A_549 = arith.muli %add3A_543, %mul3A_548 : i32
      %add3A_550 = arith.constant 0 : i32
      %add3A_551 = arith.addi %add3A_550, %mul3A_549 : i32
      %get3A_552 = arith.index_cast %add3A_551 : i32 to index
      %get3A_553 = tpu.vector_load %arg5[%get3A_552] {strides = array<i32>} : memref<51200xf32, #tpu.memory_space<vmem>>, vector<16xf32>,
      %mul3A_554 = arith.mulf %get3A_547, %get3A_553 : vector<16xf32>
      %add3A_555 = arith.addf %add3A_443, %mul3A_554 : vector<16xf32>
      %mul3A_556 = arith.constant 16 : i32
      %mul3A_557 = arith.muli %add3A_543, %mul3A_556 : i32
      %add3A_558 = arith.constant 2048 : i32
      %add3A_559 = arith.addi %add3A_558, %mul3A_557 : i32
      %get3A_560 = arith.index_cast %add3A_559 : i32 to index
      %get3A_561 = tpu.vector_load %arg5[%get3A_560] {strides = array<i32>} : memref<51200xf32, #tpu.memory_space<vmem>>, vector<16xf32>,
      %mul3A_562 = arith.mulf %get3A_547, %get3A_561 : vector<16xf32>
      %add3A_563 = arith.addf %add3A_451, %mul3A_562 : vector<16xf32>
      %mul3A_564 = arith.constant 16 : i32
      %mul3A_565 = arith.muli %add3A_543, %mul3A_564 : i32
      %add3A_566 = arith.constant 4096 : i32
      %add3A_567 = arith.addi %add3A_566, %mul3A_565 : i32
      %get3A_568 = arith.index_cast %add3A_567 : i32 to index
      %get3A_569 = tpu.vector_load %arg5[%get3A_568] {strides = array<i32>} : memref<51200xf32, #tpu.memory_space<vmem>>, vector<16xf32>,
      %mul3A_570 = arith.mulf %get3A_547, %get3A_569 : vector<16xf32>
      %add3A_571 = arith.addf %add3A_459, %mul3A_570 : vector<16xf32>
      %mul3A_572 = arith.constant 16 : i32
      %mul3A_573 = arith.muli %add3A_543, %mul3A_572 : i32
      %add3A_574 = arith.constant 6144 : i32
      %add3A_575 = arith.addi %add3A_574, %mul3A_573 : i32
      %get3A_576 = arith.index_cast %add3A_575 : i32 to index
      %get3A_577 = tpu.vector_load %arg5[%get3A_576] {strides = array<i32>} : memref<51200xf32, #tpu.memory_space<vmem>>, vector<16xf32>,
      %mul3A_578 = arith.mulf %get3A_547, %get3A_577 : vector<16xf32>
      %add3A_579 = arith.addf %add3A_467, %mul3A_578 : vector<16xf32>
      %mul3A_580 = arith.constant 16 : i32
      %mul3A_581 = arith.muli %add3A_543, %mul3A_580 : i32
      %add3A_582 = arith.constant 8192 : i32
      %add3A_583 = arith.addi %add3A_582, %mul3A_581 : i32
      %get3A_584 = arith.index_cast %add3A_583 : i32 to index
      %get3A_585 = tpu.vector_load %arg5[%get3A_584] {strides = array<i32>} : memref<51200xf32, #tpu.memory_space<vmem>>, vector<16xf32>,
      %mul3A_586 = arith.mulf %get3A_547, %get3A_585 : vector<16xf32>
      %add3A_587 = arith.addf %add3A_475, %mul3A_586 : vector<16xf32>
      %mul3A_588 = arith.constant 16 : i32
      %mul3A_589 = arith.muli %add3A_543, %mul3A_588 : i32
      %add3A_590 = arith.constant 10240 : i32
      %add3A_591 = arith.addi %add3A_590, %mul3A_589 : i32
      %get3A_592 = arith.index_cast %add3A_591 : i32 to index
      %get3A_593 = tpu.vector_load %arg5[%get3A_592] {strides = array<i32>} : memref<51200xf32, #tpu.memory_space<vmem>>, vector<16xf32>,
      %mul3A_594 = arith.mulf %get3A_547, %get3A_593 : vector<16xf32>
      %add3A_595 = arith.addf %add3A_483, %mul3A_594 : vector<16xf32>
      %mul3A_596 = arith.constant 16 : i32
      %mul3A_597 = arith.muli %add3A_543, %mul3A_596 : i32
      %add3A_598 = arith.constant 12288 : i32
      %add3A_599 = arith.addi %add3A_598, %mul3A_597 : i32
      %get3A_600 = arith.index_cast %add3A_599 : i32 to index
      %get3A_601 = tpu.vector_load %arg5[%get3A_600] {strides = array<i32>} : memref<51200xf32, #tpu.memory_space<vmem>>, vector<16xf32>,
      %mul3A_602 = arith.mulf %get3A_547, %get3A_601 : vector<16xf32>
      %add3A_603 = arith.addf %add3A_491, %mul3A_602 : vector<16xf32>
      %mul3A_604 = arith.constant 16 : i32
      %mul3A_605 = arith.muli %add3A_543, %mul3A_604 : i32
      %add3A_606 = arith.constant 14336 : i32
      %add3A_607 = arith.addi %add3A_606, %mul3A_605 : i32
      %get3A_608 = arith.index_cast %add3A_607 : i32 to index
      %get3A_609 = tpu.vector_load %arg5[%get3A_608] {strides = array<i32>} : memref<51200xf32, #tpu.memory_space<vmem>>, vector<16xf32>,
      %mul3A_610 = arith.mulf %get3A_547, %get3A_609 : vector<16xf32>
      %add3A_611 = arith.addf %add3A_499, %mul3A_610 : vector<16xf32>
      %mul3A_612 = arith.constant 16 : i32
      %mul3A_613 = arith.muli %add3A_543, %mul3A_612 : i32
      %add3A_614 = arith.constant 16384 : i32
      %add3A_615 = arith.addi %add3A_614, %mul3A_613 : i32
      %get3A_616 = arith.index_cast %add3A_615 : i32 to index
      %get3A_617 = tpu.vector_load %arg5[%get3A_616] {strides = array<i32>} : memref<51200xf32, #tpu.memory_space<vmem>>, vector<16xf32>,
      %mul3A_618 = arith.mulf %get3A_547, %get3A_617 : vector<16xf32>
      %add3A_619 = arith.addf %add3A_507, %mul3A_618 : vector<16xf32>
      %mul3A_620 = arith.constant 16 : i32
      %mul3A_621 = arith.muli %add3A_543, %mul3A_620 : i32
      %add3A_622 = arith.constant 18432 : i32
      %add3A_623 = arith.addi %add3A_622, %mul3A_621 : i32
      %get3A_624 = arith.index_cast %add3A_623 : i32 to index
      %get3A_625 = tpu.vector_load %arg5[%get3A_624] {strides = array<i32>} : memref<51200xf32, #tpu.memory_space<vmem>>, vector<16xf32>,
      %mul3A_626 = arith.mulf %get3A_547, %get3A_625 : vector<16xf32>
      %add3A_627 = arith.addf %add3A_515, %mul3A_626 : vector<16xf32>
      %mul3A_628 = arith.constant 16 : i32
      %mul3A_629 = arith.muli %add3A_543, %mul3A_628 : i32
      %add3A_630 = arith.constant 20480 : i32
      %add3A_631 = arith.addi %add3A_630, %mul3A_629 : i32
      %get3A_632 = arith.index_cast %add3A_631 : i32 to index
      %get3A_633 = tpu.vector_load %arg5[%get3A_632] {strides = array<i32>} : memref<51200xf32, #tpu.memory_space<vmem>>, vector<16xf32>,
      %mul3A_634 = arith.mulf %get3A_547, %get3A_633 : vector<16xf32>
      %add3A_635 = arith.addf %add3A_523, %mul3A_634 : vector<16xf32>
      %mul3A_636 = arith.constant 16 : i32
      %mul3A_637 = arith.muli %add3A_543, %mul3A_636 : i32
      %add3A_638 = arith.constant 22528 : i32
      %add3A_639 = arith.addi %add3A_638, %mul3A_637 : i32
      %get3A_640 = arith.index_cast %add3A_639 : i32 to index
      %get3A_641 = tpu.vector_load %arg5[%get3A_640] {strides = array<i32>} : memref<51200xf32, #tpu.memory_space<vmem>>, vector<16xf32>,
      %mul3A_642 = arith.mulf %get3A_547, %get3A_641 : vector<16xf32>
      %add3A_643 = arith.addf %add3A_531, %mul3A_642 : vector<16xf32>
      %mul3A_644 = arith.constant 16 : i32
      %mul3A_645 = arith.muli %add3A_543, %mul3A_644 : i32
      %add3A_646 = arith.constant 24576 : i32
      %add3A_647 = arith.addi %add3A_646, %mul3A_645 : i32
      %get3A_648 = arith.index_cast %add3A_647 : i32 to index
      %get3A_649 = tpu.vector_load %arg5[%get3A_648] {strides = array<i32>} : memref<51200xf32, #tpu.memory_space<vmem>>, vector<16xf32>,
      %mul3A_650 = arith.mulf %get3A_547, %get3A_649 : vector<16xf32>
      %add3A_651 = arith.addf %add3A_539, %mul3A_650 : vector<16xf32>
      %mul3A_652 = arith.constant 4 : i32
      %mul3A_653 = arith.muli %scan3A_303, %mul3A_652 : i32
      %add3A_654 = arith.constant 3 : i32
      %add3A_655 = arith.addi %mul3A_653, %add3A_654 : i32
      %mul3A_656 = arith.constant 16 : i32
      %mul3A_657 = arith.muli %add3A_655, %mul3A_656 : i32
      %get3A_658 = arith.index_cast %mul3A_657 : i32 to index
      %get3A_659 = tpu.vector_load %arg6[%get3A_658] {strides = array<i32>} : memref<2048xf32, #tpu.memory_space<vmem>>, vector<16xf32>,
      %mul3A_660 = arith.constant 16 : i32
      %mul3A_661 = arith.muli %add3A_655, %mul3A_660 : i32
      %add3A_662 = arith.constant 0 : i32
      %add3A_663 = arith.addi %add3A_662, %mul3A_661 : i32
      %get3A_664 = arith.index_cast %add3A_663 : i32 to index
      %get3A_665 = tpu.vector_load %arg5[%get3A_664] {strides = array<i32>} : memref<51200xf32, #tpu.memory_space<vmem>>, vector<16xf32>,
      %mul3A_666 = arith.mulf %get3A_659, %get3A_665 : vector<16xf32>
      %add3A_667 = arith.addf %add3A_555, %mul3A_666 : vector<16xf32>
      %mul3A_668 = arith.constant 16 : i32
      %mul3A_669 = arith.muli %add3A_655, %mul3A_668 : i32
      %add3A_670 = arith.constant 2048 : i32
      %add3A_671 = arith.addi %add3A_670, %mul3A_669 : i32
      %get3A_672 = arith.index_cast %add3A_671 : i32 to index
      %get3A_673 = tpu.vector_load %arg5[%get3A_672] {strides = array<i32>} : memref<51200xf32, #tpu.memory_space<vmem>>, vector<16xf32>,
      %mul3A_674 = arith.mulf %get3A_659, %get3A_673 : vector<16xf32>
      %add3A_675 = arith.addf %add3A_563, %mul3A_674 : vector<16xf32>
      %mul3A_676 = arith.constant 16 : i32
      %mul3A_677 = arith.muli %add3A_655, %mul3A_676 : i32
      %add3A_678 = arith.constant 4096 : i32
      %add3A_679 = arith.addi %add3A_678, %mul3A_677 : i32
      %get3A_680 = arith.index_cast %add3A_679 : i32 to index
      %get3A_681 = tpu.vector_load %arg5[%get3A_680] {strides = array<i32>} : memref<51200xf32, #tpu.memory_space<vmem>>, vector<16xf32>,
      %mul3A_682 = arith.mulf %get3A_659, %get3A_681 : vector<16xf32>
      %add3A_683 = arith.addf %add3A_571, %mul3A_682 : vector<16xf32>
      %mul3A_684 = arith.constant 16 : i32
      %mul3A_685 = arith.muli %add3A_655, %mul3A_684 : i32
      %add3A_686 = arith.constant 6144 : i32
      %add3A_687 = arith.addi %add3A_686, %mul3A_685 : i32
      %get3A_688 = arith.index_cast %add3A_687 : i32 to index
      %get3A_689 = tpu.vector_load %arg5[%get3A_688] {strides = array<i32>} : memref<51200xf32, #tpu.memory_space<vmem>>, vector<16xf32>,
      %mul3A_690 = arith.mulf %get3A_659, %get3A_689 : vector<16xf32>
      %add3A_691 = arith.addf %add3A_579, %mul3A_690 : vector<16xf32>
      %mul3A_692 = arith.constant 16 : i32
      %mul3A_693 = arith.muli %add3A_655, %mul3A_692 : i32
      %add3A_694 = arith.constant 8192 : i32
      %add3A_695 = arith.addi %add3A_694, %mul3A_693 : i32
      %get3A_696 = arith.index_cast %add3A_695 : i32 to index
      %get3A_697 = tpu.vector_load %arg5[%get3A_696] {strides = array<i32>} : memref<51200xf32, #tpu.memory_space<vmem>>, vector<16xf32>,
      %mul3A_698 = arith.mulf %get3A_659, %get3A_697 : vector<16xf32>
      %add3A_699 = arith.addf %add3A_587, %mul3A_698 : vector<16xf32>
      %mul3A_700 = arith.constant 16 : i32
      %mul3A_701 = arith.muli %add3A_655, %mul3A_700 : i32
      %add3A_702 = arith.constant 10240 : i32
      %add3A_703 = arith.addi %add3A_702, %mul3A_701 : i32
      %get3A_704 = arith.index_cast %add3A_703 : i32 to index
      %get3A_705 = tpu.vector_load %arg5[%get3A_704] {strides = array<i32>} : memref<51200xf32, #tpu.memory_space<vmem>>, vector<16xf32>,
      %mul3A_706 = arith.mulf %get3A_659, %get3A_705 : vector<16xf32>
      %add3A_707 = arith.addf %add3A_595, %mul3A_706 : vector<16xf32>
      %mul3A_708 = arith.constant 16 : i32
      %mul3A_709 = arith.muli %add3A_655, %mul3A_708 : i32
      %add3A_710 = arith.constant 12288 : i32
      %add3A_711 = arith.addi %add3A_710, %mul3A_709 : i32
      %get3A_712 = arith.index_cast %add3A_711 : i32 to index
      %get3A_713 = tpu.vector_load %arg5[%get3A_712] {strides = array<i32>} : memref<51200xf32, #tpu.memory_space<vmem>>, vector<16xf32>,
      %mul3A_714 = arith.mulf %get3A_659, %get3A_713 : vector<16xf32>
      %add3A_715 = arith.addf %add3A_603, %mul3A_714 : vector<16xf32>
      %mul3A_716 = arith.constant 16 : i32
      %mul3A_717 = arith.muli %add3A_655, %mul3A_716 : i32
      %add3A_718 = arith.constant 14336 : i32
      %add3A_719 = arith.addi %add3A_718, %mul3A_717 : i32
      %get3A_720 = arith.index_cast %add3A_719 : i32 to index
      %get3A_721 = tpu.vector_load %arg5[%get3A_720] {strides = array<i32>} : memref<51200xf32, #tpu.memory_space<vmem>>, vector<16xf32>,
      %mul3A_722 = arith.mulf %get3A_659, %get3A_721 : vector<16xf32>
      %add3A_723 = arith.addf %add3A_611, %mul3A_722 : vector<16xf32>
      %mul3A_724 = arith.constant 16 : i32
      %mul3A_725 = arith.muli %add3A_655, %mul3A_724 : i32
      %add3A_726 = arith.constant 16384 : i32
      %add3A_727 = arith.addi %add3A_726, %mul3A_725 : i32
      %get3A_728 = arith.index_cast %add3A_727 : i32 to index
      %get3A_729 = tpu.vector_load %arg5[%get3A_728] {strides = array<i32>} : memref<51200xf32, #tpu.memory_space<vmem>>, vector<16xf32>,
      %mul3A_730 = arith.mulf %get3A_659, %get3A_729 : vector<16xf32>
      %add3A_731 = arith.addf %add3A_619, %mul3A_730 : vector<16xf32>
      %mul3A_732 = arith.constant 16 : i32
      %mul3A_733 = arith.muli %add3A_655, %mul3A_732 : i32
      %add3A_734 = arith.constant 18432 : i32
      %add3A_735 = arith.addi %add3A_734, %mul3A_733 : i32
      %get3A_736 = arith.index_cast %add3A_735 : i32 to index
      %get3A_737 = tpu.vector_load %arg5[%get3A_736] {strides = array<i32>} : memref<51200xf32, #tpu.memory_space<vmem>>, vector<16xf32>,
      %mul3A_738 = arith.mulf %get3A_659, %get3A_737 : vector<16xf32>
      %add3A_739 = arith.addf %add3A_627, %mul3A_738 : vector<16xf32>
      %mul3A_740 = arith.constant 16 : i32
      %mul3A_741 = arith.muli %add3A_655, %mul3A_740 : i32
      %add3A_742 = arith.constant 20480 : i32
      %add3A_743 = arith.addi %add3A_742, %mul3A_741 : i32
      %get3A_744 = arith.index_cast %add3A_743 : i32 to index
      %get3A_745 = tpu.vector_load %arg5[%get3A_744] {strides = array<i32>} : memref<51200xf32, #tpu.memory_space<vmem>>, vector<16xf32>,
      %mul3A_746 = arith.mulf %get3A_659, %get3A_745 : vector<16xf32>
      %add3A_747 = arith.addf %add3A_635, %mul3A_746 : vector<16xf32>
      %mul3A_748 = arith.constant 16 : i32
      %mul3A_749 = arith.muli %add3A_655, %mul3A_748 : i32
      %add3A_750 = arith.constant 22528 : i32
      %add3A_751 = arith.addi %add3A_750, %mul3A_749 : i32
      %get3A_752 = arith.index_cast %add3A_751 : i32 to index
      %get3A_753 = tpu.vector_load %arg5[%get3A_752] {strides = array<i32>} : memref<51200xf32, #tpu.memory_space<vmem>>, vector<16xf32>,
      %mul3A_754 = arith.mulf %get3A_659, %get3A_753 : vector<16xf32>
      %add3A_755 = arith.addf %add3A_643, %mul3A_754 : vector<16xf32>
      %mul3A_756 = arith.constant 16 : i32
      %mul3A_757 = arith.muli %add3A_655, %mul3A_756 : i32
      %add3A_758 = arith.constant 24576 : i32
      %add3A_759 = arith.addi %add3A_758, %mul3A_757 : i32
      %get3A_760 = arith.index_cast %add3A_759 : i32 to index
      %get3A_761 = tpu.vector_load %arg5[%get3A_760] {strides = array<i32>} : memref<51200xf32, #tpu.memory_space<vmem>>, vector<16xf32>,
      %mul3A_762 = arith.mulf %get3A_659, %get3A_761 : vector<16xf32>
      %add3A_763 = arith.addf %add3A_651, %mul3A_762 : vector<16xf32>
      scf.yield %add3A_667, %add3A_675, %add3A_683, %add3A_691, %add3A_699, %add3A_707, %add3A_715, %add3A_723, %add3A_731, %add3A_739, %add3A_747, %add3A_755, %add3A_763 : vector<16xf32>, vector<16xf32>, vector<16xf32>, vector<16xf32>, vector<16xf32>, vector<16xf32>, vector<16xf32>, vector<16xf32>, vector<16xf32>, vector<16xf32>, vector<16xf32>, vector<16xf32>, vector<16xf32>
    }
    %scan3A_50 = arith.constant 32 : i32
    %swap3A = arith.constant 0 : index
    %swap3A_51 = tpu.vector_load %arg7[%swap3A] {strides = array<i32>} : memref<512xf32, #tpu.memory_space<vmem>>, vector<16xf32>,
    tpu.vector_store %arg7[%swap3A], %scan3A_49#0 {strides = array<i32>} : memref<512xf32, #tpu.memory_space<vmem>>, vector<16xf32>,
    %swap3A_52 = arith.constant 16 : index
    %swap3A_53 = tpu.vector_load %arg7[%swap3A_52] {strides = array<i32>} : memref<512xf32, #tpu.memory_space<vmem>>, vector<16xf32>,
    tpu.vector_store %arg7[%swap3A_52], %scan3A_49#1 {strides = array<i32>} : memref<512xf32, #tpu.memory_space<vmem>>, vector<16xf32>,
    %swap3A_54 = arith.constant 32 : index
    %swap3A_55 = tpu.vector_load %arg7[%swap3A_54] {strides = array<i32>} : memref<512xf32, #tpu.memory_space<vmem>>, vector<16xf32>,
    tpu.vector_store %arg7[%swap3A_54], %scan3A_49#2 {strides = array<i32>} : memref<512xf32, #tpu.memory_space<vmem>>, vector<16xf32>,
    %swap3A_56 = arith.constant 48 : index
    %swap3A_57 = tpu.vector_load %arg7[%swap3A_56] {strides = array<i32>} : memref<512xf32, #tpu.memory_space<vmem>>, vector<16xf32>,
    tpu.vector_store %arg7[%swap3A_56], %scan3A_49#3 {strides = array<i32>} : memref<512xf32, #tpu.memory_space<vmem>>, vector<16xf32>,
    %swap3A_58 = arith.constant 64 : index
    %swap3A_59 = tpu.vector_load %arg7[%swap3A_58] {strides = array<i32>} : memref<512xf32, #tpu.memory_space<vmem>>, vector<16xf32>,
    tpu.vector_store %arg7[%swap3A_58], %scan3A_49#4 {strides = array<i32>} : memref<512xf32, #tpu.memory_space<vmem>>, vector<16xf32>,
    %swap3A_60 = arith.constant 80 : index
    %swap3A_61 = tpu.vector_load %arg7[%swap3A_60] {strides = array<i32>} : memref<512xf32, #tpu.memory_space<vmem>>, vector<16xf32>,
    tpu.vector_store %arg7[%swap3A_60], %scan3A_49#5 {strides = array<i32>} : memref<512xf32, #tpu.memory_space<vmem>>, vector<16xf32>,
    %swap3A_62 = arith.constant 96 : index
    %swap3A_63 = tpu.vector_load %arg7[%swap3A_62] {strides = array<i32>} : memref<512xf32, #tpu.memory_space<vmem>>, vector<16xf32>,
    tpu.vector_store %arg7[%swap3A_62], %scan3A_49#6 {strides = array<i32>} : memref<512xf32, #tpu.memory_space<vmem>>, vector<16xf32>,
    %swap3A_64 = arith.constant 112 : index
    %swap3A_65 = tpu.vector_load %arg7[%swap3A_64] {strides = array<i32>} : memref<512xf32, #tpu.memory_space<vmem>>, vector<16xf32>,
    tpu.vector_store %arg7[%swap3A_64], %scan3A_49#7 {strides = array<i32>} : memref<512xf32, #tpu.memory_space<vmem>>, vector<16xf32>,
    %swap3A_66 = arith.constant 128 : index
    %swap3A_67 = tpu.vector_load %arg7[%swap3A_66] {strides = array<i32>} : memref<512xf32, #tpu.memory_space<vmem>>, vector<16xf32>,
    tpu.vector_store %arg7[%swap3A_66], %scan3A_49#8 {strides = array<i32>} : memref<512xf32, #tpu.memory_space<vmem>>, vector<16xf32>,
    %swap3A_68 = arith.constant 144 : index
    %swap3A_69 = tpu.vector_load %arg7[%swap3A_68] {strides = array<i32>} : memref<512xf32, #tpu.memory_space<vmem>>, vector<16xf32>,
    tpu.vector_store %arg7[%swap3A_68], %scan3A_49#9 {strides = array<i32>} : memref<512xf32, #tpu.memory_space<vmem>>, vector<16xf32>,
    %swap3A_70 = arith.constant 160 : index
    %swap3A_71 = tpu.vector_load %arg7[%swap3A_70] {strides = array<i32>} : memref<512xf32, #tpu.memory_space<vmem>>, vector<16xf32>,
    tpu.vector_store %arg7[%swap3A_70], %scan3A_49#10 {strides = array<i32>} : memref<512xf32, #tpu.memory_space<vmem>>, vector<16xf32>,
    %swap3A_72 = arith.constant 176 : index
    %swap3A_73 = tpu.vector_load %arg7[%swap3A_72] {strides = array<i32>} : memref<512xf32, #tpu.memory_space<vmem>>, vector<16xf32>,
    tpu.vector_store %arg7[%swap3A_72], %scan3A_49#11 {strides = array<i32>} : memref<512xf32, #tpu.memory_space<vmem>>, vector<16xf32>,
    %swap3A_74 = arith.constant 192 : index
    %swap3A_75 = tpu.vector_load %arg7[%swap3A_74] {strides = array<i32>} : memref<512xf32, #tpu.memory_space<vmem>>, vector<16xf32>,
    tpu.vector_store %arg7[%swap3A_74], %scan3A_49#12 {strides = array<i32>} : memref<512xf32, #tpu.memory_space<vmem>>, vector<16xf32>,
    %dma_wait3A_76 = arith.constant 26624 : i32
    %dma_wait3A_77 = tpu.memref_slice %arg5[%dma_wait3A_76] : memref<51200xf32, #tpu.memory_space<vmem>> -> memref<24576xf32, #tpu.memory_space<vmem>>
    %dma_wait3A_78 = tpu.memref_slice %arg2[%add3A_31] : memref<1638400xf32, #tpu.memory_space<hbm>> -> memref<24576xf32, #tpu.memory_space<hbm>>
    %dma_wait3A_79 = arith.constant 26624 : i32
    %dma_wait3A_80 = tpu.memref_slice %arg5[%dma_wait3A_79] : memref<51200xf32, #tpu.memory_space<vmem>> -> memref<24576xf32, #tpu.memory_space<vmem>>
    %dma_wait3A_81 = tpu.memref_slice %arg2[%add3A_31] : memref<1638400xf32, #tpu.memory_space<hbm>> -> memref<24576xf32, #tpu.memory_space<hbm>>
    tpu.wait_dma2 semaphore(%arg10 : memref<!tpu.dma_semaphore, #tpu.memory_space<semaphore_mem>>) src(%dma_wait3A_81 : memref<24576xf32, #tpu.memory_space<hbm>>) dst(%dma_wait3A_80 : memref<24576xf32, #tpu.memory_space<vmem>>)
    %scan3A_82 = arith.constant 0 : i32
    %scan3A_83 = arith.constant 32 : i32
    %scan3A_84 = arith.addi %scan3A_82, %scan3A_83 : i32
    %scan3A_85 = arith.constant 1 : i32
    %scan3A_86:12 = scf.for %scan3A_303 = %scan3A_82 to %scan3A_84 step %scan3A_85 iter_args(%scan3A_304 = %broadcast_in_dim3A_39, %scan3A_305 = %broadcast_in_dim3A_39, %scan3A_306 = %broadcast_in_dim3A_39, %scan3A_307 = %broadcast_in_dim3A_39, %scan3A_308 = %broadcast_in_dim3A_39, %scan3A_309 = %broadcast_in_dim3A_39, %scan3A_310 = %broadcast_in_dim3A_39, %scan3A_311 = %broadcast_in_dim3A_39, %scan3A_312 = %broadcast_in_dim3A_39, %scan3A_313 = %broadcast_in_dim3A_39, %scan3A_314 = %broadcast_in_dim3A_39, %scan3A_315 = %broadcast_in_dim3A_39) -> (vector<16xf32>, vector<16xf32>, vector<16xf32>, vector<16xf32>, vector<16xf32>, vector<16xf32>, vector<16xf32>, vector<16xf32>, vector<16xf32>, vector<16xf32>, vector<16xf32>, vector<16xf32>)  : i32 {
      %mul3A_316 = arith.constant 4 : i32
      %mul3A_317 = arith.muli %scan3A_303, %mul3A_316 : i32
      %add3A_318 = arith.constant 0 : i32
      %add3A_319 = arith.addi %mul3A_317, %add3A_318 : i32
      %mul3A_320 = arith.constant 16 : i32
      %mul3A_321 = arith.muli %add3A_319, %mul3A_320 : i32
      %get3A = arith.index_cast %mul3A_321 : i32 to index
      %get3A_322 = tpu.vector_load %arg6[%get3A] {strides = array<i32>} : memref<2048xf32, #tpu.memory_space<vmem>>, vector<16xf32>,
      %mul3A_323 = arith.constant 16 : i32
      %mul3A_324 = arith.muli %add3A_319, %mul3A_323 : i32
      %add3A_325 = arith.constant 26624 : i32
      %add3A_326 = arith.addi %add3A_325, %mul3A_324 : i32
      %get3A_327 = arith.index_cast %add3A_326 : i32 to index
      %get3A_328 = tpu.vector_load %arg5[%get3A_327] {strides = array<i32>} : memref<51200xf32, #tpu.memory_space<vmem>>, vector<16xf32>,
      %mul3A_329 = arith.mulf %get3A_322, %get3A_328 : vector<16xf32>
      %add3A_330 = arith.addf %scan3A_304, %mul3A_329 : vector<16xf32>
      %mul3A_331 = arith.constant 16 : i32
      %mul3A_332 = arith.muli %add3A_319, %mul3A_331 : i32
      %add3A_333 = arith.constant 28672 : i32
      %add3A_334 = arith.addi %add3A_333, %mul3A_332 : i32
      %get3A_335 = arith.index_cast %add3A_334 : i32 to index
      %get3A_336 = tpu.vector_load %arg5[%get3A_335] {strides = array<i32>} : memref<51200xf32, #tpu.memory_space<vmem>>, vector<16xf32>,
      %mul3A_337 = arith.mulf %get3A_322, %get3A_336 : vector<16xf32>
      %add3A_338 = arith.addf %scan3A_305, %mul3A_337 : vector<16xf32>
      %mul3A_339 = arith.constant 16 : i32
      %mul3A_340 = arith.muli %add3A_319, %mul3A_339 : i32
      %add3A_341 = arith.constant 30720 : i32
      %add3A_342 = arith.addi %add3A_341, %mul3A_340 : i32
      %get3A_343 = arith.index_cast %add3A_342 : i32 to index
      %get3A_344 = tpu.vector_load %arg5[%get3A_343] {strides = array<i32>} : memref<51200xf32, #tpu.memory_space<vmem>>, vector<16xf32>,
      %mul3A_345 = arith.mulf %get3A_322, %get3A_344 : vector<16xf32>
      %add3A_346 = arith.addf %scan3A_306, %mul3A_345 : vector<16xf32>
      %mul3A_347 = arith.constant 16 : i32
      %mul3A_348 = arith.muli %add3A_319, %mul3A_347 : i32
      %add3A_349 = arith.constant 32768 : i32
      %add3A_350 = arith.addi %add3A_349, %mul3A_348 : i32
      %get3A_351 = arith.index_cast %add3A_350 : i32 to index
      %get3A_352 = tpu.vector_load %arg5[%get3A_351] {strides = array<i32>} : memref<51200xf32, #tpu.memory_space<vmem>>, vector<16xf32>,
      %mul3A_353 = arith.mulf %get3A_322, %get3A_352 : vector<16xf32>
      %add3A_354 = arith.addf %scan3A_307, %mul3A_353 : vector<16xf32>
      %mul3A_355 = arith.constant 16 : i32
      %mul3A_356 = arith.muli %add3A_319, %mul3A_355 : i32
      %add3A_357 = arith.constant 34816 : i32
      %add3A_358 = arith.addi %add3A_357, %mul3A_356 : i32
      %get3A_359 = arith.index_cast %add3A_358 : i32 to index
      %get3A_360 = tpu.vector_load %arg5[%get3A_359] {strides = array<i32>} : memref<51200xf32, #tpu.memory_space<vmem>>, vector<16xf32>,
      %mul3A_361 = arith.mulf %get3A_322, %get3A_360 : vector<16xf32>
      %add3A_362 = arith.addf %scan3A_308, %mul3A_361 : vector<16xf32>
      %mul3A_363 = arith.constant 16 : i32
      %mul3A_364 = arith.muli %add3A_319, %mul3A_363 : i32
      %add3A_365 = arith.constant 36864 : i32
      %add3A_366 = arith.addi %add3A_365, %mul3A_364 : i32
      %get3A_367 = arith.index_cast %add3A_366 : i32 to index
      %get3A_368 = tpu.vector_load %arg5[%get3A_367] {strides = array<i32>} : memref<51200xf32, #tpu.memory_space<vmem>>, vector<16xf32>,
      %mul3A_369 = arith.mulf %get3A_322, %get3A_368 : vector<16xf32>
      %add3A_370 = arith.addf %scan3A_309, %mul3A_369 : vector<16xf32>
      %mul3A_371 = arith.constant 16 : i32
      %mul3A_372 = arith.muli %add3A_319, %mul3A_371 : i32
      %add3A_373 = arith.constant 38912 : i32
      %add3A_374 = arith.addi %add3A_373, %mul3A_372 : i32
      %get3A_375 = arith.index_cast %add3A_374 : i32 to index
      %get3A_376 = tpu.vector_load %arg5[%get3A_375] {strides = array<i32>} : memref<51200xf32, #tpu.memory_space<vmem>>, vector<16xf32>,
      %mul3A_377 = arith.mulf %get3A_322, %get3A_376 : vector<16xf32>
      %add3A_378 = arith.addf %scan3A_310, %mul3A_377 : vector<16xf32>
      %mul3A_379 = arith.constant 16 : i32
      %mul3A_380 = arith.muli %add3A_319, %mul3A_379 : i32
      %add3A_381 = arith.constant 40960 : i32
      %add3A_382 = arith.addi %add3A_381, %mul3A_380 : i32
      %get3A_383 = arith.index_cast %add3A_382 : i32 to index
      %get3A_384 = tpu.vector_load %arg5[%get3A_383] {strides = array<i32>} : memref<51200xf32, #tpu.memory_space<vmem>>, vector<16xf32>,
      %mul3A_385 = arith.mulf %get3A_322, %get3A_384 : vector<16xf32>
      %add3A_386 = arith.addf %scan3A_311, %mul3A_385 : vector<16xf32>
      %mul3A_387 = arith.constant 16 : i32
      %mul3A_388 = arith.muli %add3A_319, %mul3A_387 : i32
      %add3A_389 = arith.constant 43008 : i32
      %add3A_390 = arith.addi %add3A_389, %mul3A_388 : i32
      %get3A_391 = arith.index_cast %add3A_390 : i32 to index
      %get3A_392 = tpu.vector_load %arg5[%get3A_391] {strides = array<i32>} : memref<51200xf32, #tpu.memory_space<vmem>>, vector<16xf32>,
      %mul3A_393 = arith.mulf %get3A_322, %get3A_392 : vector<16xf32>
      %add3A_394 = arith.addf %scan3A_312, %mul3A_393 : vector<16xf32>
      %mul3A_395 = arith.constant 16 : i32
      %mul3A_396 = arith.muli %add3A_319, %mul3A_395 : i32
      %add3A_397 = arith.constant 45056 : i32
      %add3A_398 = arith.addi %add3A_397, %mul3A_396 : i32
      %get3A_399 = arith.index_cast %add3A_398 : i32 to index
      %get3A_400 = tpu.vector_load %arg5[%get3A_399] {strides = array<i32>} : memref<51200xf32, #tpu.memory_space<vmem>>, vector<16xf32>,
      %mul3A_401 = arith.mulf %get3A_322, %get3A_400 : vector<16xf32>
      %add3A_402 = arith.addf %scan3A_313, %mul3A_401 : vector<16xf32>
      %mul3A_403 = arith.constant 16 : i32
      %mul3A_404 = arith.muli %add3A_319, %mul3A_403 : i32
      %add3A_405 = arith.constant 47104 : i32
      %add3A_406 = arith.addi %add3A_405, %mul3A_404 : i32
      %get3A_407 = arith.index_cast %add3A_406 : i32 to index
      %get3A_408 = tpu.vector_load %arg5[%get3A_407] {strides = array<i32>} : memref<51200xf32, #tpu.memory_space<vmem>>, vector<16xf32>,
      %mul3A_409 = arith.mulf %get3A_322, %get3A_408 : vector<16xf32>
      %add3A_410 = arith.addf %scan3A_314, %mul3A_409 : vector<16xf32>
      %mul3A_411 = arith.constant 16 : i32
      %mul3A_412 = arith.muli %add3A_319, %mul3A_411 : i32
      %add3A_413 = arith.constant 49152 : i32
      %add3A_414 = arith.addi %add3A_413, %mul3A_412 : i32
      %get3A_415 = arith.index_cast %add3A_414 : i32 to index
      %get3A_416 = tpu.vector_load %arg5[%get3A_415] {strides = array<i32>} : memref<51200xf32, #tpu.memory_space<vmem>>, vector<16xf32>,
      %mul3A_417 = arith.mulf %get3A_322, %get3A_416 : vector<16xf32>
      %add3A_418 = arith.addf %scan3A_315, %mul3A_417 : vector<16xf32>
      %mul3A_419 = arith.constant 4 : i32
      %mul3A_420 = arith.muli %scan3A_303, %mul3A_419 : i32
      %add3A_421 = arith.constant 1 : i32
      %add3A_422 = arith.addi %mul3A_420, %add3A_421 : i32
      %mul3A_423 = arith.constant 16 : i32
      %mul3A_424 = arith.muli %add3A_422, %mul3A_423 : i32
      %get3A_425 = arith.index_cast %mul3A_424 : i32 to index
      %get3A_426 = tpu.vector_load %arg6[%get3A_425] {strides = array<i32>} : memref<2048xf32, #tpu.memory_space<vmem>>, vector<16xf32>,
      %mul3A_427 = arith.constant 16 : i32
      %mul3A_428 = arith.muli %add3A_422, %mul3A_427 : i32
      %add3A_429 = arith.constant 26624 : i32
      %add3A_430 = arith.addi %add3A_429, %mul3A_428 : i32
      %get3A_431 = arith.index_cast %add3A_430 : i32 to index
      %get3A_432 = tpu.vector_load %arg5[%get3A_431] {strides = array<i32>} : memref<51200xf32, #tpu.memory_space<vmem>>, vector<16xf32>,
      %mul3A_433 = arith.mulf %get3A_426, %get3A_432 : vector<16xf32>
      %add3A_434 = arith.addf %add3A_330, %mul3A_433 : vector<16xf32>
      %mul3A_435 = arith.constant 16 : i32
      %mul3A_436 = arith.muli %add3A_422, %mul3A_435 : i32
      %add3A_437 = arith.constant 28672 : i32
      %add3A_438 = arith.addi %add3A_437, %mul3A_436 : i32
      %get3A_439 = arith.index_cast %add3A_438 : i32 to index
      %get3A_440 = tpu.vector_load %arg5[%get3A_439] {strides = array<i32>} : memref<51200xf32, #tpu.memory_space<vmem>>, vector<16xf32>,
      %mul3A_441 = arith.mulf %get3A_426, %get3A_440 : vector<16xf32>
      %add3A_442 = arith.addf %add3A_338, %mul3A_441 : vector<16xf32>
      %mul3A_443 = arith.constant 16 : i32
      %mul3A_444 = arith.muli %add3A_422, %mul3A_443 : i32
      %add3A_445 = arith.constant 30720 : i32
      %add3A_446 = arith.addi %add3A_445, %mul3A_444 : i32
      %get3A_447 = arith.index_cast %add3A_446 : i32 to index
      %get3A_448 = tpu.vector_load %arg5[%get3A_447] {strides = array<i32>} : memref<51200xf32, #tpu.memory_space<vmem>>, vector<16xf32>,
      %mul3A_449 = arith.mulf %get3A_426, %get3A_448 : vector<16xf32>
      %add3A_450 = arith.addf %add3A_346, %mul3A_449 : vector<16xf32>
      %mul3A_451 = arith.constant 16 : i32
      %mul3A_452 = arith.muli %add3A_422, %mul3A_451 : i32
      %add3A_453 = arith.constant 32768 : i32
      %add3A_454 = arith.addi %add3A_453, %mul3A_452 : i32
      %get3A_455 = arith.index_cast %add3A_454 : i32 to index
      %get3A_456 = tpu.vector_load %arg5[%get3A_455] {strides = array<i32>} : memref<51200xf32, #tpu.memory_space<vmem>>, vector<16xf32>,
      %mul3A_457 = arith.mulf %get3A_426, %get3A_456 : vector<16xf32>
      %add3A_458 = arith.addf %add3A_354, %mul3A_457 : vector<16xf32>
      %mul3A_459 = arith.constant 16 : i32
      %mul3A_460 = arith.muli %add3A_422, %mul3A_459 : i32
      %add3A_461 = arith.constant 34816 : i32
      %add3A_462 = arith.addi %add3A_461, %mul3A_460 : i32
      %get3A_463 = arith.index_cast %add3A_462 : i32 to index
      %get3A_464 = tpu.vector_load %arg5[%get3A_463] {strides = array<i32>} : memref<51200xf32, #tpu.memory_space<vmem>>, vector<16xf32>,
      %mul3A_465 = arith.mulf %get3A_426, %get3A_464 : vector<16xf32>
      %add3A_466 = arith.addf %add3A_362, %mul3A_465 : vector<16xf32>
      %mul3A_467 = arith.constant 16 : i32
      %mul3A_468 = arith.muli %add3A_422, %mul3A_467 : i32
      %add3A_469 = arith.constant 36864 : i32
      %add3A_470 = arith.addi %add3A_469, %mul3A_468 : i32
      %get3A_471 = arith.index_cast %add3A_470 : i32 to index
      %get3A_472 = tpu.vector_load %arg5[%get3A_471] {strides = array<i32>} : memref<51200xf32, #tpu.memory_space<vmem>>, vector<16xf32>,
      %mul3A_473 = arith.mulf %get3A_426, %get3A_472 : vector<16xf32>
      %add3A_474 = arith.addf %add3A_370, %mul3A_473 : vector<16xf32>
      %mul3A_475 = arith.constant 16 : i32
      %mul3A_476 = arith.muli %add3A_422, %mul3A_475 : i32
      %add3A_477 = arith.constant 38912 : i32
      %add3A_478 = arith.addi %add3A_477, %mul3A_476 : i32
      %get3A_479 = arith.index_cast %add3A_478 : i32 to index
      %get3A_480 = tpu.vector_load %arg5[%get3A_479] {strides = array<i32>} : memref<51200xf32, #tpu.memory_space<vmem>>, vector<16xf32>,
      %mul3A_481 = arith.mulf %get3A_426, %get3A_480 : vector<16xf32>
      %add3A_482 = arith.addf %add3A_378, %mul3A_481 : vector<16xf32>
      %mul3A_483 = arith.constant 16 : i32
      %mul3A_484 = arith.muli %add3A_422, %mul3A_483 : i32
      %add3A_485 = arith.constant 40960 : i32
      %add3A_486 = arith.addi %add3A_485, %mul3A_484 : i32
      %get3A_487 = arith.index_cast %add3A_486 : i32 to index
      %get3A_488 = tpu.vector_load %arg5[%get3A_487] {strides = array<i32>} : memref<51200xf32, #tpu.memory_space<vmem>>, vector<16xf32>,
      %mul3A_489 = arith.mulf %get3A_426, %get3A_488 : vector<16xf32>
      %add3A_490 = arith.addf %add3A_386, %mul3A_489 : vector<16xf32>
      %mul3A_491 = arith.constant 16 : i32
      %mul3A_492 = arith.muli %add3A_422, %mul3A_491 : i32
      %add3A_493 = arith.constant 43008 : i32
      %add3A_494 = arith.addi %add3A_493, %mul3A_492 : i32
      %get3A_495 = arith.index_cast %add3A_494 : i32 to index
      %get3A_496 = tpu.vector_load %arg5[%get3A_495] {strides = array<i32>} : memref<51200xf32, #tpu.memory_space<vmem>>, vector<16xf32>,
      %mul3A_497 = arith.mulf %get3A_426, %get3A_496 : vector<16xf32>
      %add3A_498 = arith.addf %add3A_394, %mul3A_497 : vector<16xf32>
      %mul3A_499 = arith.constant 16 : i32
      %mul3A_500 = arith.muli %add3A_422, %mul3A_499 : i32
      %add3A_501 = arith.constant 45056 : i32
      %add3A_502 = arith.addi %add3A_501, %mul3A_500 : i32
      %get3A_503 = arith.index_cast %add3A_502 : i32 to index
      %get3A_504 = tpu.vector_load %arg5[%get3A_503] {strides = array<i32>} : memref<51200xf32, #tpu.memory_space<vmem>>, vector<16xf32>,
      %mul3A_505 = arith.mulf %get3A_426, %get3A_504 : vector<16xf32>
      %add3A_506 = arith.addf %add3A_402, %mul3A_505 : vector<16xf32>
      %mul3A_507 = arith.constant 16 : i32
      %mul3A_508 = arith.muli %add3A_422, %mul3A_507 : i32
      %add3A_509 = arith.constant 47104 : i32
      %add3A_510 = arith.addi %add3A_509, %mul3A_508 : i32
      %get3A_511 = arith.index_cast %add3A_510 : i32 to index
      %get3A_512 = tpu.vector_load %arg5[%get3A_511] {strides = array<i32>} : memref<51200xf32, #tpu.memory_space<vmem>>, vector<16xf32>,
      %mul3A_513 = arith.mulf %get3A_426, %get3A_512 : vector<16xf32>
      %add3A_514 = arith.addf %add3A_410, %mul3A_513 : vector<16xf32>
      %mul3A_515 = arith.constant 16 : i32
      %mul3A_516 = arith.muli %add3A_422, %mul3A_515 : i32
      %add3A_517 = arith.constant 49152 : i32
      %add3A_518 = arith.addi %add3A_517, %mul3A_516 : i32
      %get3A_519 = arith.index_cast %add3A_518 : i32 to index
      %get3A_520 = tpu.vector_load %arg5[%get3A_519] {strides = array<i32>} : memref<51200xf32, #tpu.memory_space<vmem>>, vector<16xf32>,
      %mul3A_521 = arith.mulf %get3A_426, %get3A_520 : vector<16xf32>
      %add3A_522 = arith.addf %add3A_418, %mul3A_521 : vector<16xf32>
      %mul3A_523 = arith.constant 4 : i32
      %mul3A_524 = arith.muli %scan3A_303, %mul3A_523 : i32
      %add3A_525 = arith.constant 2 : i32
      %add3A_526 = arith.addi %mul3A_524, %add3A_525 : i32
      %mul3A_527 = arith.constant 16 : i32
      %mul3A_528 = arith.muli %add3A_526, %mul3A_527 : i32
      %get3A_529 = arith.index_cast %mul3A_528 : i32 to index
      %get3A_530 = tpu.vector_load %arg6[%get3A_529] {strides = array<i32>} : memref<2048xf32, #tpu.memory_space<vmem>>, vector<16xf32>,
      %mul3A_531 = arith.constant 16 : i32
      %mul3A_532 = arith.muli %add3A_526, %mul3A_531 : i32
      %add3A_533 = arith.constant 26624 : i32
      %add3A_534 = arith.addi %add3A_533, %mul3A_532 : i32
      %get3A_535 = arith.index_cast %add3A_534 : i32 to index
      %get3A_536 = tpu.vector_load %arg5[%get3A_535] {strides = array<i32>} : memref<51200xf32, #tpu.memory_space<vmem>>, vector<16xf32>,
      %mul3A_537 = arith.mulf %get3A_530, %get3A_536 : vector<16xf32>
      %add3A_538 = arith.addf %add3A_434, %mul3A_537 : vector<16xf32>
      %mul3A_539 = arith.constant 16 : i32
      %mul3A_540 = arith.muli %add3A_526, %mul3A_539 : i32
      %add3A_541 = arith.constant 28672 : i32
      %add3A_542 = arith.addi %add3A_541, %mul3A_540 : i32
      %get3A_543 = arith.index_cast %add3A_542 : i32 to index
      %get3A_544 = tpu.vector_load %arg5[%get3A_543] {strides = array<i32>} : memref<51200xf32, #tpu.memory_space<vmem>>, vector<16xf32>,
      %mul3A_545 = arith.mulf %get3A_530, %get3A_544 : vector<16xf32>
      %add3A_546 = arith.addf %add3A_442, %mul3A_545 : vector<16xf32>
      %mul3A_547 = arith.constant 16 : i32
      %mul3A_548 = arith.muli %add3A_526, %mul3A_547 : i32
      %add3A_549 = arith.constant 30720 : i32
      %add3A_550 = arith.addi %add3A_549, %mul3A_548 : i32
      %get3A_551 = arith.index_cast %add3A_550 : i32 to index
      %get3A_552 = tpu.vector_load %arg5[%get3A_551] {strides = array<i32>} : memref<51200xf32, #tpu.memory_space<vmem>>, vector<16xf32>,
      %mul3A_553 = arith.mulf %get3A_530, %get3A_552 : vector<16xf32>
      %add3A_554 = arith.addf %add3A_450, %mul3A_553 : vector<16xf32>
      %mul3A_555 = arith.constant 16 : i32
      %mul3A_556 = arith.muli %add3A_526, %mul3A_555 : i32
      %add3A_557 = arith.constant 32768 : i32
      %add3A_558 = arith.addi %add3A_557, %mul3A_556 : i32
      %get3A_559 = arith.index_cast %add3A_558 : i32 to index
      %get3A_560 = tpu.vector_load %arg5[%get3A_559] {strides = array<i32>} : memref<51200xf32, #tpu.memory_space<vmem>>, vector<16xf32>,
      %mul3A_561 = arith.mulf %get3A_530, %get3A_560 : vector<16xf32>
      %add3A_562 = arith.addf %add3A_458, %mul3A_561 : vector<16xf32>
      %mul3A_563 = arith.constant 16 : i32
      %mul3A_564 = arith.muli %add3A_526, %mul3A_563 : i32
      %add3A_565 = arith.constant 34816 : i32
      %add3A_566 = arith.addi %add3A_565, %mul3A_564 : i32
      %get3A_567 = arith.index_cast %add3A_566 : i32 to index
      %get3A_568 = tpu.vector_load %arg5[%get3A_567] {strides = array<i32>} : memref<51200xf32, #tpu.memory_space<vmem>>, vector<16xf32>,
      %mul3A_569 = arith.mulf %get3A_530, %get3A_568 : vector<16xf32>
      %add3A_570 = arith.addf %add3A_466, %mul3A_569 : vector<16xf32>
      %mul3A_571 = arith.constant 16 : i32
      %mul3A_572 = arith.muli %add3A_526, %mul3A_571 : i32
      %add3A_573 = arith.constant 36864 : i32
      %add3A_574 = arith.addi %add3A_573, %mul3A_572 : i32
      %get3A_575 = arith.index_cast %add3A_574 : i32 to index
      %get3A_576 = tpu.vector_load %arg5[%get3A_575] {strides = array<i32>} : memref<51200xf32, #tpu.memory_space<vmem>>, vector<16xf32>,
      %mul3A_577 = arith.mulf %get3A_530, %get3A_576 : vector<16xf32>
      %add3A_578 = arith.addf %add3A_474, %mul3A_577 : vector<16xf32>
      %mul3A_579 = arith.constant 16 : i32
      %mul3A_580 = arith.muli %add3A_526, %mul3A_579 : i32
      %add3A_581 = arith.constant 38912 : i32
      %add3A_582 = arith.addi %add3A_581, %mul3A_580 : i32
      %get3A_583 = arith.index_cast %add3A_582 : i32 to index
      %get3A_584 = tpu.vector_load %arg5[%get3A_583] {strides = array<i32>} : memref<51200xf32, #tpu.memory_space<vmem>>, vector<16xf32>,
      %mul3A_585 = arith.mulf %get3A_530, %get3A_584 : vector<16xf32>
      %add3A_586 = arith.addf %add3A_482, %mul3A_585 : vector<16xf32>
      %mul3A_587 = arith.constant 16 : i32
      %mul3A_588 = arith.muli %add3A_526, %mul3A_587 : i32
      %add3A_589 = arith.constant 40960 : i32
      %add3A_590 = arith.addi %add3A_589, %mul3A_588 : i32
      %get3A_591 = arith.index_cast %add3A_590 : i32 to index
      %get3A_592 = tpu.vector_load %arg5[%get3A_591] {strides = array<i32>} : memref<51200xf32, #tpu.memory_space<vmem>>, vector<16xf32>,
      %mul3A_593 = arith.mulf %get3A_530, %get3A_592 : vector<16xf32>
      %add3A_594 = arith.addf %add3A_490, %mul3A_593 : vector<16xf32>
      %mul3A_595 = arith.constant 16 : i32
      %mul3A_596 = arith.muli %add3A_526, %mul3A_595 : i32
      %add3A_597 = arith.constant 43008 : i32
      %add3A_598 = arith.addi %add3A_597, %mul3A_596 : i32
      %get3A_599 = arith.index_cast %add3A_598 : i32 to index
      %get3A_600 = tpu.vector_load %arg5[%get3A_599] {strides = array<i32>} : memref<51200xf32, #tpu.memory_space<vmem>>, vector<16xf32>,
      %mul3A_601 = arith.mulf %get3A_530, %get3A_600 : vector<16xf32>
      %add3A_602 = arith.addf %add3A_498, %mul3A_601 : vector<16xf32>
      %mul3A_603 = arith.constant 16 : i32
      %mul3A_604 = arith.muli %add3A_526, %mul3A_603 : i32
      %add3A_605 = arith.constant 45056 : i32
      %add3A_606 = arith.addi %add3A_605, %mul3A_604 : i32
      %get3A_607 = arith.index_cast %add3A_606 : i32 to index
      %get3A_608 = tpu.vector_load %arg5[%get3A_607] {strides = array<i32>} : memref<51200xf32, #tpu.memory_space<vmem>>, vector<16xf32>,
      %mul3A_609 = arith.mulf %get3A_530, %get3A_608 : vector<16xf32>
      %add3A_610 = arith.addf %add3A_506, %mul3A_609 : vector<16xf32>
      %mul3A_611 = arith.constant 16 : i32
      %mul3A_612 = arith.muli %add3A_526, %mul3A_611 : i32
      %add3A_613 = arith.constant 47104 : i32
      %add3A_614 = arith.addi %add3A_613, %mul3A_612 : i32
      %get3A_615 = arith.index_cast %add3A_614 : i32 to index
      %get3A_616 = tpu.vector_load %arg5[%get3A_615] {strides = array<i32>} : memref<51200xf32, #tpu.memory_space<vmem>>, vector<16xf32>,
      %mul3A_617 = arith.mulf %get3A_530, %get3A_616 : vector<16xf32>
      %add3A_618 = arith.addf %add3A_514, %mul3A_617 : vector<16xf32>
      %mul3A_619 = arith.constant 16 : i32
      %mul3A_620 = arith.muli %add3A_526, %mul3A_619 : i32
      %add3A_621 = arith.constant 49152 : i32
      %add3A_622 = arith.addi %add3A_621, %mul3A_620 : i32
      %get3A_623 = arith.index_cast %add3A_622 : i32 to index
      %get3A_624 = tpu.vector_load %arg5[%get3A_623] {strides = array<i32>} : memref<51200xf32, #tpu.memory_space<vmem>>, vector<16xf32>,
      %mul3A_625 = arith.mulf %get3A_530, %get3A_624 : vector<16xf32>
      %add3A_626 = arith.addf %add3A_522, %mul3A_625 : vector<16xf32>
      %mul3A_627 = arith.constant 4 : i32
      %mul3A_628 = arith.muli %scan3A_303, %mul3A_627 : i32
      %add3A_629 = arith.constant 3 : i32
      %add3A_630 = arith.addi %mul3A_628, %add3A_629 : i32
      %mul3A_631 = arith.constant 16 : i32
      %mul3A_632 = arith.muli %add3A_630, %mul3A_631 : i32
      %get3A_633 = arith.index_cast %mul3A_632 : i32 to index
      %get3A_634 = tpu.vector_load %arg6[%get3A_633] {strides = array<i32>} : memref<2048xf32, #tpu.memory_space<vmem>>, vector<16xf32>,
      %mul3A_635 = arith.constant 16 : i32
      %mul3A_636 = arith.muli %add3A_630, %mul3A_635 : i32
      %add3A_637 = arith.constant 26624 : i32
      %add3A_638 = arith.addi %add3A_637, %mul3A_636 : i32
      %get3A_639 = arith.index_cast %add3A_638 : i32 to index
      %get3A_640 = tpu.vector_load %arg5[%get3A_639] {strides = array<i32>} : memref<51200xf32, #tpu.memory_space<vmem>>, vector<16xf32>,
      %mul3A_641 = arith.mulf %get3A_634, %get3A_640 : vector<16xf32>
      %add3A_642 = arith.addf %add3A_538, %mul3A_641 : vector<16xf32>
      %mul3A_643 = arith.constant 16 : i32
      %mul3A_644 = arith.muli %add3A_630, %mul3A_643 : i32
      %add3A_645 = arith.constant 28672 : i32
      %add3A_646 = arith.addi %add3A_645, %mul3A_644 : i32
      %get3A_647 = arith.index_cast %add3A_646 : i32 to index
      %get3A_648 = tpu.vector_load %arg5[%get3A_647] {strides = array<i32>} : memref<51200xf32, #tpu.memory_space<vmem>>, vector<16xf32>,
      %mul3A_649 = arith.mulf %get3A_634, %get3A_648 : vector<16xf32>
      %add3A_650 = arith.addf %add3A_546, %mul3A_649 : vector<16xf32>
      %mul3A_651 = arith.constant 16 : i32
      %mul3A_652 = arith.muli %add3A_630, %mul3A_651 : i32
      %add3A_653 = arith.constant 30720 : i32
      %add3A_654 = arith.addi %add3A_653, %mul3A_652 : i32
      %get3A_655 = arith.index_cast %add3A_654 : i32 to index
      %get3A_656 = tpu.vector_load %arg5[%get3A_655] {strides = array<i32>} : memref<51200xf32, #tpu.memory_space<vmem>>, vector<16xf32>,
      %mul3A_657 = arith.mulf %get3A_634, %get3A_656 : vector<16xf32>
      %add3A_658 = arith.addf %add3A_554, %mul3A_657 : vector<16xf32>
      %mul3A_659 = arith.constant 16 : i32
      %mul3A_660 = arith.muli %add3A_630, %mul3A_659 : i32
      %add3A_661 = arith.constant 32768 : i32
      %add3A_662 = arith.addi %add3A_661, %mul3A_660 : i32
      %get3A_663 = arith.index_cast %add3A_662 : i32 to index
      %get3A_664 = tpu.vector_load %arg5[%get3A_663] {strides = array<i32>} : memref<51200xf32, #tpu.memory_space<vmem>>, vector<16xf32>,
      %mul3A_665 = arith.mulf %get3A_634, %get3A_664 : vector<16xf32>
      %add3A_666 = arith.addf %add3A_562, %mul3A_665 : vector<16xf32>
      %mul3A_667 = arith.constant 16 : i32
      %mul3A_668 = arith.muli %add3A_630, %mul3A_667 : i32
      %add3A_669 = arith.constant 34816 : i32
      %add3A_670 = arith.addi %add3A_669, %mul3A_668 : i32
      %get3A_671 = arith.index_cast %add3A_670 : i32 to index
      %get3A_672 = tpu.vector_load %arg5[%get3A_671] {strides = array<i32>} : memref<51200xf32, #tpu.memory_space<vmem>>, vector<16xf32>,
      %mul3A_673 = arith.mulf %get3A_634, %get3A_672 : vector<16xf32>
      %add3A_674 = arith.addf %add3A_570, %mul3A_673 : vector<16xf32>
      %mul3A_675 = arith.constant 16 : i32
      %mul3A_676 = arith.muli %add3A_630, %mul3A_675 : i32
      %add3A_677 = arith.constant 36864 : i32
      %add3A_678 = arith.addi %add3A_677, %mul3A_676 : i32
      %get3A_679 = arith.index_cast %add3A_678 : i32 to index
      %get3A_680 = tpu.vector_load %arg5[%get3A_679] {strides = array<i32>} : memref<51200xf32, #tpu.memory_space<vmem>>, vector<16xf32>,
      %mul3A_681 = arith.mulf %get3A_634, %get3A_680 : vector<16xf32>
      %add3A_682 = arith.addf %add3A_578, %mul3A_681 : vector<16xf32>
      %mul3A_683 = arith.constant 16 : i32
      %mul3A_684 = arith.muli %add3A_630, %mul3A_683 : i32
      %add3A_685 = arith.constant 38912 : i32
      %add3A_686 = arith.addi %add3A_685, %mul3A_684 : i32
      %get3A_687 = arith.index_cast %add3A_686 : i32 to index
      %get3A_688 = tpu.vector_load %arg5[%get3A_687] {strides = array<i32>} : memref<51200xf32, #tpu.memory_space<vmem>>, vector<16xf32>,
      %mul3A_689 = arith.mulf %get3A_634, %get3A_688 : vector<16xf32>
      %add3A_690 = arith.addf %add3A_586, %mul3A_689 : vector<16xf32>
      %mul3A_691 = arith.constant 16 : i32
      %mul3A_692 = arith.muli %add3A_630, %mul3A_691 : i32
      %add3A_693 = arith.constant 40960 : i32
      %add3A_694 = arith.addi %add3A_693, %mul3A_692 : i32
      %get3A_695 = arith.index_cast %add3A_694 : i32 to index
      %get3A_696 = tpu.vector_load %arg5[%get3A_695] {strides = array<i32>} : memref<51200xf32, #tpu.memory_space<vmem>>, vector<16xf32>,
      %mul3A_697 = arith.mulf %get3A_634, %get3A_696 : vector<16xf32>
      %add3A_698 = arith.addf %add3A_594, %mul3A_697 : vector<16xf32>
      %mul3A_699 = arith.constant 16 : i32
      %mul3A_700 = arith.muli %add3A_630, %mul3A_699 : i32
      %add3A_701 = arith.constant 43008 : i32
      %add3A_702 = arith.addi %add3A_701, %mul3A_700 : i32
      %get3A_703 = arith.index_cast %add3A_702 : i32 to index
      %get3A_704 = tpu.vector_load %arg5[%get3A_703] {strides = array<i32>} : memref<51200xf32, #tpu.memory_space<vmem>>, vector<16xf32>,
      %mul3A_705 = arith.mulf %get3A_634, %get3A_704 : vector<16xf32>
      %add3A_706 = arith.addf %add3A_602, %mul3A_705 : vector<16xf32>
      %mul3A_707 = arith.constant 16 : i32
      %mul3A_708 = arith.muli %add3A_630, %mul3A_707 : i32
      %add3A_709 = arith.constant 45056 : i32
      %add3A_710 = arith.addi %add3A_709, %mul3A_708 : i32
      %get3A_711 = arith.index_cast %add3A_710 : i32 to index
      %get3A_712 = tpu.vector_load %arg5[%get3A_711] {strides = array<i32>} : memref<51200xf32, #tpu.memory_space<vmem>>, vector<16xf32>,
      %mul3A_713 = arith.mulf %get3A_634, %get3A_712 : vector<16xf32>
      %add3A_714 = arith.addf %add3A_610, %mul3A_713 : vector<16xf32>
      %mul3A_715 = arith.constant 16 : i32
      %mul3A_716 = arith.muli %add3A_630, %mul3A_715 : i32
      %add3A_717 = arith.constant 47104 : i32
      %add3A_718 = arith.addi %add3A_717, %mul3A_716 : i32
      %get3A_719 = arith.index_cast %add3A_718 : i32 to index
      %get3A_720 = tpu.vector_load %arg5[%get3A_719] {strides = array<i32>} : memref<51200xf32, #tpu.memory_space<vmem>>, vector<16xf32>,
      %mul3A_721 = arith.mulf %get3A_634, %get3A_720 : vector<16xf32>
      %add3A_722 = arith.addf %add3A_618, %mul3A_721 : vector<16xf32>
      %mul3A_723 = arith.constant 16 : i32
      %mul3A_724 = arith.muli %add3A_630, %mul3A_723 : i32
      %add3A_725 = arith.constant 49152 : i32
      %add3A_726 = arith.addi %add3A_725, %mul3A_724 : i32
      %get3A_727 = arith.index_cast %add3A_726 : i32 to index
      %get3A_728 = tpu.vector_load %arg5[%get3A_727] {strides = array<i32>} : memref<51200xf32, #tpu.memory_space<vmem>>, vector<16xf32>,
      %mul3A_729 = arith.mulf %get3A_634, %get3A_728 : vector<16xf32>
      %add3A_730 = arith.addf %add3A_626, %mul3A_729 : vector<16xf32>
      scf.yield %add3A_642, %add3A_650, %add3A_658, %add3A_666, %add3A_674, %add3A_682, %add3A_690, %add3A_698, %add3A_706, %add3A_714, %add3A_722, %add3A_730 : vector<16xf32>, vector<16xf32>, vector<16xf32>, vector<16xf32>, vector<16xf32>, vector<16xf32>, vector<16xf32>, vector<16xf32>, vector<16xf32>, vector<16xf32>, vector<16xf32>, vector<16xf32>
    }
    %scan3A_87 = arith.constant 32 : i32
    %swap3A_88 = arith.constant 208 : index
    %swap3A_89 = tpu.vector_load %arg7[%swap3A_88] {strides = array<i32>} : memref<512xf32, #tpu.memory_space<vmem>>, vector<16xf32>,
    tpu.vector_store %arg7[%swap3A_88], %scan3A_86#0 {strides = array<i32>} : memref<512xf32, #tpu.memory_space<vmem>>, vector<16xf32>,
    %swap3A_90 = arith.constant 224 : index
    %swap3A_91 = tpu.vector_load %arg7[%swap3A_90] {strides = array<i32>} : memref<512xf32, #tpu.memory_space<vmem>>, vector<16xf32>,
    tpu.vector_store %arg7[%swap3A_90], %scan3A_86#1 {strides = array<i32>} : memref<512xf32, #tpu.memory_space<vmem>>, vector<16xf32>,
    %swap3A_92 = arith.constant 240 : index
    %swap3A_93 = tpu.vector_load %arg7[%swap3A_92] {strides = array<i32>} : memref<512xf32, #tpu.memory_space<vmem>>, vector<16xf32>,
    tpu.vector_store %arg7[%swap3A_92], %scan3A_86#2 {strides = array<i32>} : memref<512xf32, #tpu.memory_space<vmem>>, vector<16xf32>,
    %swap3A_94 = arith.constant 256 : index
    %swap3A_95 = tpu.vector_load %arg7[%swap3A_94] {strides = array<i32>} : memref<512xf32, #tpu.memory_space<vmem>>, vector<16xf32>,
    tpu.vector_store %arg7[%swap3A_94], %scan3A_86#3 {strides = array<i32>} : memref<512xf32, #tpu.memory_space<vmem>>, vector<16xf32>,
    %swap3A_96 = arith.constant 272 : index
    %swap3A_97 = tpu.vector_load %arg7[%swap3A_96] {strides = array<i32>} : memref<512xf32, #tpu.memory_space<vmem>>, vector<16xf32>,
    tpu.vector_store %arg7[%swap3A_96], %scan3A_86#4 {strides = array<i32>} : memref<512xf32, #tpu.memory_space<vmem>>, vector<16xf32>,
    %swap3A_98 = arith.constant 288 : index
    %swap3A_99 = tpu.vector_load %arg7[%swap3A_98] {strides = array<i32>} : memref<512xf32, #tpu.memory_space<vmem>>, vector<16xf32>,
    tpu.vector_store %arg7[%swap3A_98], %scan3A_86#5 {strides = array<i32>} : memref<512xf32, #tpu.memory_space<vmem>>, vector<16xf32>,
    %swap3A_100 = arith.constant 304 : index
    %swap3A_101 = tpu.vector_load %arg7[%swap3A_100] {strides = array<i32>} : memref<512xf32, #tpu.memory_space<vmem>>, vector<16xf32>,
    tpu.vector_store %arg7[%swap3A_100], %scan3A_86#6 {strides = array<i32>} : memref<512xf32, #tpu.memory_space<vmem>>, vector<16xf32>,
    %swap3A_102 = arith.constant 320 : index
    %swap3A_103 = tpu.vector_load %arg7[%swap3A_102] {strides = array<i32>} : memref<512xf32, #tpu.memory_space<vmem>>, vector<16xf32>,
    tpu.vector_store %arg7[%swap3A_102], %scan3A_86#7 {strides = array<i32>} : memref<512xf32, #tpu.memory_space<vmem>>, vector<16xf32>,
    %swap3A_104 = arith.constant 336 : index
    %swap3A_105 = tpu.vector_load %arg7[%swap3A_104] {strides = array<i32>} : memref<512xf32, #tpu.memory_space<vmem>>, vector<16xf32>,
    tpu.vector_store %arg7[%swap3A_104], %scan3A_86#8 {strides = array<i32>} : memref<512xf32, #tpu.memory_space<vmem>>, vector<16xf32>,
    %swap3A_106 = arith.constant 352 : index
    %swap3A_107 = tpu.vector_load %arg7[%swap3A_106] {strides = array<i32>} : memref<512xf32, #tpu.memory_space<vmem>>, vector<16xf32>,
    tpu.vector_store %arg7[%swap3A_106], %scan3A_86#9 {strides = array<i32>} : memref<512xf32, #tpu.memory_space<vmem>>, vector<16xf32>,
    %swap3A_108 = arith.constant 368 : index
    %swap3A_109 = tpu.vector_load %arg7[%swap3A_108] {strides = array<i32>} : memref<512xf32, #tpu.memory_space<vmem>>, vector<16xf32>,
    tpu.vector_store %arg7[%swap3A_108], %scan3A_86#10 {strides = array<i32>} : memref<512xf32, #tpu.memory_space<vmem>>, vector<16xf32>,
    %swap3A_110 = arith.constant 384 : index
    %swap3A_111 = tpu.vector_load %arg7[%swap3A_110] {strides = array<i32>} : memref<512xf32, #tpu.memory_space<vmem>>, vector<16xf32>,
    tpu.vector_store %arg7[%swap3A_110], %scan3A_86#11 {strides = array<i32>} : memref<512xf32, #tpu.memory_space<vmem>>, vector<16xf32>,
    %swap3A_112 = arith.constant 400 : index
    %swap3A_113 = tpu.vector_load %arg7[%swap3A_112] {strides = array<i32>} : memref<512xf32, #tpu.memory_space<vmem>>, vector<16xf32>,
    tpu.vector_store %arg7[%swap3A_112], %broadcast_in_dim3A_39 {strides = array<i32>} : memref<512xf32, #tpu.memory_space<vmem>>, vector<16xf32>,
    %swap3A_114 = arith.constant 416 : index
    %swap3A_115 = tpu.vector_load %arg7[%swap3A_114] {strides = array<i32>} : memref<512xf32, #tpu.memory_space<vmem>>, vector<16xf32>,
    tpu.vector_store %arg7[%swap3A_114], %broadcast_in_dim3A_39 {strides = array<i32>} : memref<512xf32, #tpu.memory_space<vmem>>, vector<16xf32>,
    %swap3A_116 = arith.constant 432 : index
    %swap3A_117 = tpu.vector_load %arg7[%swap3A_116] {strides = array<i32>} : memref<512xf32, #tpu.memory_space<vmem>>, vector<16xf32>,
    tpu.vector_store %arg7[%swap3A_116], %broadcast_in_dim3A_39 {strides = array<i32>} : memref<512xf32, #tpu.memory_space<vmem>>, vector<16xf32>,
    %swap3A_118 = arith.constant 448 : index
    %swap3A_119 = tpu.vector_load %arg7[%swap3A_118] {strides = array<i32>} : memref<512xf32, #tpu.memory_space<vmem>>, vector<16xf32>,
    tpu.vector_store %arg7[%swap3A_118], %broadcast_in_dim3A_39 {strides = array<i32>} : memref<512xf32, #tpu.memory_space<vmem>>, vector<16xf32>,
    %swap3A_120 = arith.constant 464 : index
    %swap3A_121 = tpu.vector_load %arg7[%swap3A_120] {strides = array<i32>} : memref<512xf32, #tpu.memory_space<vmem>>, vector<16xf32>,
    tpu.vector_store %arg7[%swap3A_120], %broadcast_in_dim3A_39 {strides = array<i32>} : memref<512xf32, #tpu.memory_space<vmem>>, vector<16xf32>,
    %swap3A_122 = arith.constant 480 : index
    %swap3A_123 = tpu.vector_load %arg7[%swap3A_122] {strides = array<i32>} : memref<512xf32, #tpu.memory_space<vmem>>, vector<16xf32>,
    tpu.vector_store %arg7[%swap3A_122], %broadcast_in_dim3A_39 {strides = array<i32>} : memref<512xf32, #tpu.memory_space<vmem>>, vector<16xf32>,
    %swap3A_124 = arith.constant 496 : index
    %swap3A_125 = tpu.vector_load %arg7[%swap3A_124] {strides = array<i32>} : memref<512xf32, #tpu.memory_space<vmem>>, vector<16xf32>,
    tpu.vector_store %arg7[%swap3A_124], %broadcast_in_dim3A_39 {strides = array<i32>} : memref<512xf32, #tpu.memory_space<vmem>>, vector<16xf32>,
    %iota3A = tpu.iota {dimensions = array<i32: 0>} : vector<16xi32>
    %add3A_126 = arith.constant 0 : i32
    %add3A_127 = vector.broadcast %add3A_126 : i32 to vector<16xi32>
    %add3A_128 = arith.addi %iota3A, %add3A_127 : vector<16xi32>
    %mul3A_129 = arith.constant 16 : i32
    %mul3A_130 = vector.broadcast %mul3A_129 : i32 to vector<16xi32>
    %mul3A_131 = arith.muli %add3A_128, %mul3A_130 : vector<16xi32>
    %add3A_132 = arith.constant 0 : i32
    %add3A_133 = vector.broadcast %add3A_132 : i32 to vector<16xi32>
    %add3A_134 = arith.addi %mul3A_131, %add3A_133 : vector<16xi32>
    %gather3A = tpu.vector_load_idx %arg7[%add3A_134] : memref<512xf32, #tpu.memory_space<vmem>>[vector<16xi32>], vector<16xf32>,
    %add3A_135 = arith.addf %broadcast_in_dim3A_39, %gather3A : vector<16xf32>
    %add3A_136 = arith.constant 1 : i32
    %add3A_137 = vector.broadcast %add3A_136 : i32 to vector<16xi32>
    %add3A_138 = arith.addi %mul3A_131, %add3A_137 : vector<16xi32>
    %gather3A_139 = tpu.vector_load_idx %arg7[%add3A_138] : memref<512xf32, #tpu.memory_space<vmem>>[vector<16xi32>], vector<16xf32>,
    %add3A_140 = arith.addf %add3A_135, %gather3A_139 : vector<16xf32>
    %add3A_141 = arith.constant 2 : i32
    %add3A_142 = vector.broadcast %add3A_141 : i32 to vector<16xi32>
    %add3A_143 = arith.addi %mul3A_131, %add3A_142 : vector<16xi32>
    %gather3A_144 = tpu.vector_load_idx %arg7[%add3A_143] : memref<512xf32, #tpu.memory_space<vmem>>[vector<16xi32>], vector<16xf32>,
    %add3A_145 = arith.addf %add3A_140, %gather3A_144 : vector<16xf32>
    %add3A_146 = arith.constant 3 : i32
    %add3A_147 = vector.broadcast %add3A_146 : i32 to vector<16xi32>
    %add3A_148 = arith.addi %mul3A_131, %add3A_147 : vector<16xi32>
    %gather3A_149 = tpu.vector_load_idx %arg7[%add3A_148] : memref<512xf32, #tpu.memory_space<vmem>>[vector<16xi32>], vector<16xf32>,
    %add3A_150 = arith.addf %add3A_145, %gather3A_149 : vector<16xf32>
    %add3A_151 = arith.constant 4 : i32
    %add3A_152 = vector.broadcast %add3A_151 : i32 to vector<16xi32>
    %add3A_153 = arith.addi %mul3A_131, %add3A_152 : vector<16xi32>
    %gather3A_154 = tpu.vector_load_idx %arg7[%add3A_153] : memref<512xf32, #tpu.memory_space<vmem>>[vector<16xi32>], vector<16xf32>,
    %add3A_155 = arith.addf %add3A_150, %gather3A_154 : vector<16xf32>
    %add3A_156 = arith.constant 5 : i32
    %add3A_157 = vector.broadcast %add3A_156 : i32 to vector<16xi32>
    %add3A_158 = arith.addi %mul3A_131, %add3A_157 : vector<16xi32>
    %gather3A_159 = tpu.vector_load_idx %arg7[%add3A_158] : memref<512xf32, #tpu.memory_space<vmem>>[vector<16xi32>], vector<16xf32>,
    %add3A_160 = arith.addf %add3A_155, %gather3A_159 : vector<16xf32>
    %add3A_161 = arith.constant 6 : i32
    %add3A_162 = vector.broadcast %add3A_161 : i32 to vector<16xi32>
    %add3A_163 = arith.addi %mul3A_131, %add3A_162 : vector<16xi32>
    %gather3A_164 = tpu.vector_load_idx %arg7[%add3A_163] : memref<512xf32, #tpu.memory_space<vmem>>[vector<16xi32>], vector<16xf32>,
    %add3A_165 = arith.addf %add3A_160, %gather3A_164 : vector<16xf32>
    %add3A_166 = arith.constant 7 : i32
    %add3A_167 = vector.broadcast %add3A_166 : i32 to vector<16xi32>
    %add3A_168 = arith.addi %mul3A_131, %add3A_167 : vector<16xi32>
    %gather3A_169 = tpu.vector_load_idx %arg7[%add3A_168] : memref<512xf32, #tpu.memory_space<vmem>>[vector<16xi32>], vector<16xf32>,
    %add3A_170 = arith.addf %add3A_165, %gather3A_169 : vector<16xf32>
    %add3A_171 = arith.constant 8 : i32
    %add3A_172 = vector.broadcast %add3A_171 : i32 to vector<16xi32>
    %add3A_173 = arith.addi %mul3A_131, %add3A_172 : vector<16xi32>
    %gather3A_174 = tpu.vector_load_idx %arg7[%add3A_173] : memref<512xf32, #tpu.memory_space<vmem>>[vector<16xi32>], vector<16xf32>,
    %add3A_175 = arith.addf %add3A_170, %gather3A_174 : vector<16xf32>
    %add3A_176 = arith.constant 9 : i32
    %add3A_177 = vector.broadcast %add3A_176 : i32 to vector<16xi32>
    %add3A_178 = arith.addi %mul3A_131, %add3A_177 : vector<16xi32>
    %gather3A_179 = tpu.vector_load_idx %arg7[%add3A_178] : memref<512xf32, #tpu.memory_space<vmem>>[vector<16xi32>], vector<16xf32>,
    %add3A_180 = arith.addf %add3A_175, %gather3A_179 : vector<16xf32>
    %add3A_181 = arith.constant 10 : i32
    %add3A_182 = vector.broadcast %add3A_181 : i32 to vector<16xi32>
    %add3A_183 = arith.addi %mul3A_131, %add3A_182 : vector<16xi32>
    %gather3A_184 = tpu.vector_load_idx %arg7[%add3A_183] : memref<512xf32, #tpu.memory_space<vmem>>[vector<16xi32>], vector<16xf32>,
    %add3A_185 = arith.addf %add3A_180, %gather3A_184 : vector<16xf32>
    %add3A_186 = arith.constant 11 : i32
    %add3A_187 = vector.broadcast %add3A_186 : i32 to vector<16xi32>
    %add3A_188 = arith.addi %mul3A_131, %add3A_187 : vector<16xi32>
    %gather3A_189 = tpu.vector_load_idx %arg7[%add3A_188] : memref<512xf32, #tpu.memory_space<vmem>>[vector<16xi32>], vector<16xf32>,
    %add3A_190 = arith.addf %add3A_185, %gather3A_189 : vector<16xf32>
    %add3A_191 = arith.constant 12 : i32
    %add3A_192 = vector.broadcast %add3A_191 : i32 to vector<16xi32>
    %add3A_193 = arith.addi %mul3A_131, %add3A_192 : vector<16xi32>
    %gather3A_194 = tpu.vector_load_idx %arg7[%add3A_193] : memref<512xf32, #tpu.memory_space<vmem>>[vector<16xi32>], vector<16xf32>,
    %add3A_195 = arith.addf %add3A_190, %gather3A_194 : vector<16xf32>
    %add3A_196 = arith.constant 13 : i32
    %add3A_197 = vector.broadcast %add3A_196 : i32 to vector<16xi32>
    %add3A_198 = arith.addi %mul3A_131, %add3A_197 : vector<16xi32>
    %gather3A_199 = tpu.vector_load_idx %arg7[%add3A_198] : memref<512xf32, #tpu.memory_space<vmem>>[vector<16xi32>], vector<16xf32>,
    %add3A_200 = arith.addf %add3A_195, %gather3A_199 : vector<16xf32>
    %add3A_201 = arith.constant 14 : i32
    %add3A_202 = vector.broadcast %add3A_201 : i32 to vector<16xi32>
    %add3A_203 = arith.addi %mul3A_131, %add3A_202 : vector<16xi32>
    %gather3A_204 = tpu.vector_load_idx %arg7[%add3A_203] : memref<512xf32, #tpu.memory_space<vmem>>[vector<16xi32>], vector<16xf32>,
    %add3A_205 = arith.addf %add3A_200, %gather3A_204 : vector<16xf32>
    %add3A_206 = arith.constant 15 : i32
    %add3A_207 = vector.broadcast %add3A_206 : i32 to vector<16xi32>
    %add3A_208 = arith.addi %mul3A_131, %add3A_207 : vector<16xi32>
    %gather3A_209 = tpu.vector_load_idx %arg7[%add3A_208] : memref<512xf32, #tpu.memory_space<vmem>>[vector<16xi32>], vector<16xf32>,
    %add3A_210 = arith.addf %add3A_205, %gather3A_209 : vector<16xf32>
    %swap3A_211 = arith.constant 0 : index
    %swap3A_212 = tpu.vector_load %arg8[%swap3A_211] {strides = array<i32>} : memref<32xf32, #tpu.memory_space<vmem>>, vector<16xf32>,
    tpu.vector_store %arg8[%swap3A_211], %add3A_210 {strides = array<i32>} : memref<32xf32, #tpu.memory_space<vmem>>, vector<16xf32>,
    %add3A_213 = arith.constant 16 : i32
    %add3A_214 = vector.broadcast %add3A_213 : i32 to vector<16xi32>
    %add3A_215 = arith.addi %iota3A, %add3A_214 : vector<16xi32>
    %mul3A_216 = arith.constant 16 : i32
    %mul3A_217 = vector.broadcast %mul3A_216 : i32 to vector<16xi32>
    %mul3A_218 = arith.muli %add3A_215, %mul3A_217 : vector<16xi32>
    %add3A_219 = arith.constant 0 : i32
    %add3A_220 = vector.broadcast %add3A_219 : i32 to vector<16xi32>
    %add3A_221 = arith.addi %mul3A_218, %add3A_220 : vector<16xi32>
    %gather3A_222 = tpu.vector_load_idx %arg7[%add3A_221] : memref<512xf32, #tpu.memory_space<vmem>>[vector<16xi32>], vector<16xf32>,
    %add3A_223 = arith.addf %broadcast_in_dim3A_39, %gather3A_222 : vector<16xf32>
    %add3A_224 = arith.constant 1 : i32
    %add3A_225 = vector.broadcast %add3A_224 : i32 to vector<16xi32>
    %add3A_226 = arith.addi %mul3A_218, %add3A_225 : vector<16xi32>
    %gather3A_227 = tpu.vector_load_idx %arg7[%add3A_226] : memref<512xf32, #tpu.memory_space<vmem>>[vector<16xi32>], vector<16xf32>,
    %add3A_228 = arith.addf %add3A_223, %gather3A_227 : vector<16xf32>
    %add3A_229 = arith.constant 2 : i32
    %add3A_230 = vector.broadcast %add3A_229 : i32 to vector<16xi32>
    %add3A_231 = arith.addi %mul3A_218, %add3A_230 : vector<16xi32>
    %gather3A_232 = tpu.vector_load_idx %arg7[%add3A_231] : memref<512xf32, #tpu.memory_space<vmem>>[vector<16xi32>], vector<16xf32>,
    %add3A_233 = arith.addf %add3A_228, %gather3A_232 : vector<16xf32>
    %add3A_234 = arith.constant 3 : i32
    %add3A_235 = vector.broadcast %add3A_234 : i32 to vector<16xi32>
    %add3A_236 = arith.addi %mul3A_218, %add3A_235 : vector<16xi32>
    %gather3A_237 = tpu.vector_load_idx %arg7[%add3A_236] : memref<512xf32, #tpu.memory_space<vmem>>[vector<16xi32>], vector<16xf32>,
    %add3A_238 = arith.addf %add3A_233, %gather3A_237 : vector<16xf32>
    %add3A_239 = arith.constant 4 : i32
    %add3A_240 = vector.broadcast %add3A_239 : i32 to vector<16xi32>
    %add3A_241 = arith.addi %mul3A_218, %add3A_240 : vector<16xi32>
    %gather3A_242 = tpu.vector_load_idx %arg7[%add3A_241] : memref<512xf32, #tpu.memory_space<vmem>>[vector<16xi32>], vector<16xf32>,
    %add3A_243 = arith.addf %add3A_238, %gather3A_242 : vector<16xf32>
    %add3A_244 = arith.constant 5 : i32
    %add3A_245 = vector.broadcast %add3A_244 : i32 to vector<16xi32>
    %add3A_246 = arith.addi %mul3A_218, %add3A_245 : vector<16xi32>
    %gather3A_247 = tpu.vector_load_idx %arg7[%add3A_246] : memref<512xf32, #tpu.memory_space<vmem>>[vector<16xi32>], vector<16xf32>,
    %add3A_248 = arith.addf %add3A_243, %gather3A_247 : vector<16xf32>
    %add3A_249 = arith.constant 6 : i32
    %add3A_250 = vector.broadcast %add3A_249 : i32 to vector<16xi32>
    %add3A_251 = arith.addi %mul3A_218, %add3A_250 : vector<16xi32>
    %gather3A_252 = tpu.vector_load_idx %arg7[%add3A_251] : memref<512xf32, #tpu.memory_space<vmem>>[vector<16xi32>], vector<16xf32>,
    %add3A_253 = arith.addf %add3A_248, %gather3A_252 : vector<16xf32>
    %add3A_254 = arith.constant 7 : i32
    %add3A_255 = vector.broadcast %add3A_254 : i32 to vector<16xi32>
    %add3A_256 = arith.addi %mul3A_218, %add3A_255 : vector<16xi32>
    %gather3A_257 = tpu.vector_load_idx %arg7[%add3A_256] : memref<512xf32, #tpu.memory_space<vmem>>[vector<16xi32>], vector<16xf32>,
    %add3A_258 = arith.addf %add3A_253, %gather3A_257 : vector<16xf32>
    %add3A_259 = arith.constant 8 : i32
    %add3A_260 = vector.broadcast %add3A_259 : i32 to vector<16xi32>
    %add3A_261 = arith.addi %mul3A_218, %add3A_260 : vector<16xi32>
    %gather3A_262 = tpu.vector_load_idx %arg7[%add3A_261] : memref<512xf32, #tpu.memory_space<vmem>>[vector<16xi32>], vector<16xf32>,
    %add3A_263 = arith.addf %add3A_258, %gather3A_262 : vector<16xf32>
    %add3A_264 = arith.constant 9 : i32
    %add3A_265 = vector.broadcast %add3A_264 : i32 to vector<16xi32>
    %add3A_266 = arith.addi %mul3A_218, %add3A_265 : vector<16xi32>
    %gather3A_267 = tpu.vector_load_idx %arg7[%add3A_266] : memref<512xf32, #tpu.memory_space<vmem>>[vector<16xi32>], vector<16xf32>,
    %add3A_268 = arith.addf %add3A_263, %gather3A_267 : vector<16xf32>
    %add3A_269 = arith.constant 10 : i32
    %add3A_270 = vector.broadcast %add3A_269 : i32 to vector<16xi32>
    %add3A_271 = arith.addi %mul3A_218, %add3A_270 : vector<16xi32>
    %gather3A_272 = tpu.vector_load_idx %arg7[%add3A_271] : memref<512xf32, #tpu.memory_space<vmem>>[vector<16xi32>], vector<16xf32>,
    %add3A_273 = arith.addf %add3A_268, %gather3A_272 : vector<16xf32>
    %add3A_274 = arith.constant 11 : i32
    %add3A_275 = vector.broadcast %add3A_274 : i32 to vector<16xi32>
    %add3A_276 = arith.addi %mul3A_218, %add3A_275 : vector<16xi32>
    %gather3A_277 = tpu.vector_load_idx %arg7[%add3A_276] : memref<512xf32, #tpu.memory_space<vmem>>[vector<16xi32>], vector<16xf32>,
    %add3A_278 = arith.addf %add3A_273, %gather3A_277 : vector<16xf32>
    %add3A_279 = arith.constant 12 : i32
    %add3A_280 = vector.broadcast %add3A_279 : i32 to vector<16xi32>
    %add3A_281 = arith.addi %mul3A_218, %add3A_280 : vector<16xi32>
    %gather3A_282 = tpu.vector_load_idx %arg7[%add3A_281] : memref<512xf32, #tpu.memory_space<vmem>>[vector<16xi32>], vector<16xf32>,
    %add3A_283 = arith.addf %add3A_278, %gather3A_282 : vector<16xf32>
    %add3A_284 = arith.constant 13 : i32
    %add3A_285 = vector.broadcast %add3A_284 : i32 to vector<16xi32>
    %add3A_286 = arith.addi %mul3A_218, %add3A_285 : vector<16xi32>
    %gather3A_287 = tpu.vector_load_idx %arg7[%add3A_286] : memref<512xf32, #tpu.memory_space<vmem>>[vector<16xi32>], vector<16xf32>,
    %add3A_288 = arith.addf %add3A_283, %gather3A_287 : vector<16xf32>
    %add3A_289 = arith.constant 14 : i32
    %add3A_290 = vector.broadcast %add3A_289 : i32 to vector<16xi32>
    %add3A_291 = arith.addi %mul3A_218, %add3A_290 : vector<16xi32>
    %gather3A_292 = tpu.vector_load_idx %arg7[%add3A_291] : memref<512xf32, #tpu.memory_space<vmem>>[vector<16xi32>], vector<16xf32>,
    %add3A_293 = arith.addf %add3A_288, %gather3A_292 : vector<16xf32>
    %add3A_294 = arith.constant 15 : i32
    %add3A_295 = vector.broadcast %add3A_294 : i32 to vector<16xi32>
    %add3A_296 = arith.addi %mul3A_218, %add3A_295 : vector<16xi32>
    %gather3A_297 = tpu.vector_load_idx %arg7[%add3A_296] : memref<512xf32, #tpu.memory_space<vmem>>[vector<16xi32>], vector<16xf32>,
    %add3A_298 = arith.addf %add3A_293, %gather3A_297 : vector<16xf32>
    %swap3A_299 = arith.constant 16 : index
    %swap3A_300 = tpu.vector_load %arg8[%swap3A_299] {strides = array<i32>} : memref<32xf32, #tpu.memory_space<vmem>>, vector<16xf32>,
    tpu.vector_store %arg8[%swap3A_299], %add3A_298 {strides = array<i32>} : memref<32xf32, #tpu.memory_space<vmem>>, vector<16xf32>,
    %mul3A_301 = arith.constant 32 : i32
    %mul3A_302 = arith.muli %add3A, %mul3A_301 : i32
    "tpu.region"() ({
      %run_scoped3A = tpu.sem_alloc : memref<!tpu.dma_semaphore, #tpu.memory_space<semaphore_mem>>
      %dma_start3A_303 = tpu.memref_slice %arg4[%mul3A_302] : memref<1024xf32, #tpu.memory_space<hbm>> -> memref<32xf32, #tpu.memory_space<hbm>>
      %dma_start3A_304 = tpu.memref_slice %arg4[%mul3A_302] : memref<1024xf32, #tpu.memory_space<hbm>> -> memref<32xf32, #tpu.memory_space<hbm>>
      tpu.enqueue_dma source(%arg8 : memref<32xf32, #tpu.memory_space<vmem>>) target(%dma_start3A_304 : memref<32xf32, #tpu.memory_space<hbm>>) target_semaphore(%run_scoped3A : memref<!tpu.dma_semaphore, #tpu.memory_space<semaphore_mem>>)
      %dma_wait3A_305 = tpu.memref_slice %arg4[%mul3A_302] : memref<1024xf32, #tpu.memory_space<hbm>> -> memref<32xf32, #tpu.memory_space<hbm>>
      %dma_wait3A_306 = tpu.memref_slice %arg4[%mul3A_302] : memref<1024xf32, #tpu.memory_space<hbm>> -> memref<32xf32, #tpu.memory_space<hbm>>
      tpu.wait_dma2 semaphore(%run_scoped3A : memref<!tpu.dma_semaphore, #tpu.memory_space<semaphore_mem>>) src(%arg8 : memref<32xf32, #tpu.memory_space<vmem>>) dst(%dma_wait3A_306 : memref<32xf32, #tpu.memory_space<hbm>>)
      tpu.yield
    }) : () -> ()
    return
  }
}

module attributes {stable_mosaic.version = 14 : i64} {
  func.func @_cost_body(%arg0: i32, %arg1: memref<1x512xf32, #tpu.memory_space<vmem>>, %arg2: memref<4096x512xf32, #tpu.memory_space<vmem>>, %arg3: memref<1x4096xf32, #tpu.memory_space<vmem>>) attributes {dimension_semantics = [#tpu.dimension_semantics<arbitrary>], iteration_bounds = array<i64: 8>, scalar_prefetch = 0 : i64, scratch_operands = 0 : i64, tpu.core_type = #tpu.core_type<tc>, window_params = [{pipeline_mode = #tpu.pipeline_mode<synchronous>, transform_indices = @transform_0, window_bounds = array<i64: 1, 512>}, {transform_indices = @transform_1, window_bounds = array<i64: 4096, 512>}, {transform_indices = @transform_2, window_bounds = array<i64: 1, 4096>}]} {
    %get3A = arith.constant 0 : index
    %get3A_0 = arith.constant 0 : index
    %get3A_1 = vector.load %arg1[%get3A, %get3A_0] : memref<1x512xf32, #tpu.memory_space<vmem>>, vector<1x512xf32>
    %get3A_2 = arith.constant 0 : index
    %get3A_3 = arith.constant 0 : index
    %get3A_4 = vector.load %arg2[%get3A_2, %get3A_3] : memref<4096x512xf32, #tpu.memory_space<vmem>>, vector<4096x512xf32>
    %dot_general3A = arith.constant dense<0.000000e+00> : vector<1x4096xf32>
    %dot_general3A_5 = tpu.matmul %get3A_1, %get3A_4, %dot_general3A {dimension_numbers = #tpu.dot_dimension_numbers<[1], [1], [0], [0], [0, 0, 1, 0], [], []>, transpose_lhs_hint = false} : vector<1x512xf32>, vector<4096x512xf32>, vector<1x4096xf32> -> vector<1x4096xf32>
    %swap3A = arith.constant 0 : index
    %swap3A_6 = arith.constant 0 : index
    %swap3A_7 = vector.load %arg3[%swap3A, %swap3A_6] : memref<1x4096xf32, #tpu.memory_space<vmem>>, vector<1x4096xf32>
    tpu.vector_store %arg3[%swap3A, %swap3A_6], %dot_general3A_5 {strides = array<i32>} : memref<1x4096xf32, #tpu.memory_space<vmem>>, vector<1x4096xf32>,
    return
  }
  func.func @transform_0(%arg0: i32) -> (i32, i32) {
    %c0_i32 = arith.constant 0 : i32
    %c0_i32_0 = arith.constant 0 : i32
    %c0_i32_1 = arith.constant 0 : i32
    return %c0_i32, %c0_i32_0 : i32, i32
  }
  func.func @transform_1(%arg0: i32) -> (i32, i32) {
    %c0_i32 = arith.constant 0 : i32
    %c0_i32_0 = arith.constant 0 : i32
    return %arg0, %c0_i32 : i32, i32
  }
  func.func @transform_2(%arg0: i32) -> (i32, i32) {
    %c0_i32 = arith.constant 0 : i32
    %c0_i32_0 = arith.constant 0 : i32
    return %c0_i32, %arg0 : i32, i32
  }
}

</mosaic_0001>

<sc_bundles>
// kernel: kernel.4.cloned.1.call-start
scs
__scs_entry_jumppad:
0x0: {  	(pc) =	sbr.rel $0x88, $3  }
0x1: {  	(tag) =	ssettag $0x0;
	lr =	simm.s32 $0x1  }
0x2: {  	[smem:$0x3F9E] =	sst lr;
	_ =	strace $0xD0000000  }
0x3: {  	_ = 	snop  }
0x4: {  	_ = 	snop  }
0x5: {  	_ = 	snop  }
0x6: {  	_ = 	snop  }
0x7: {  	_ = 	snop  }
__scs_overlays_trampoline_lowered:
0x8: {  	[smem:$0x3FAD] =	sst s0  }
0x9: {  	[smem:$0x3FAE] =	sst s1  }
0xa: {  	[smem:$0x3FAF] =	sst s2  }
0xb: {  	[smem:$0x3FB0] =	sst s3  }
0xc: {  	[smem:$0x3FB1] =	sst s4  }
0xd: {  	[smem:$0x3FB2] =	sst s5  }
0xe: {  	[smem:$0x3FB3] =	sst s6  }
0xf: {  	[smem:$0x3FB4] =	sst s7  }
0x10: {  	[smem:$0x3FB5] =	sst s8  }
0x11: {  	[smem:$0x3FB6] =	sst s9;
	s0 =	simm.s32 @!p0 $0x0  }
0x12: {  	s1 =	sld [smem:$0x3F9C];
	s0 =	simm.s32 @p0 $0x1  }
0x13: {  	[smem:$0x3FB7] =	sst s0;
	s0 =	simm.s32 @!p1 $0x0  }
0x14: {  	s2 =	sld [smem:$0x3F9B];
	s0 =	simm.s32 @p1 $0x1  }
0x15: {  	[smem:$0x3FB8] =	sst s0;
	s0 =	simm.s32 @!p2 $0x0  }
0x16: {  	s3 =	sld [smem:$0x3FDB];
	s0 =	simm.s32 @p2 $0x1  }
0x17: {  	s4 =	simm.s32 $0x1BF5;
	[smem:$0x3FBA] =	sst s0  }
0x18: {  	s0 =	sld [smem:$0x3F9D];
	_ =	swait.ge [sflag:s4], $0x0  }
0x19: {  	s7 =	sld [smem:$0x3F9E]  }
0x1a: {  	s8 =	sadd.s32 $0xFFFFE003, lr  }
0x1b: {  	s9 =	sadd.s32 $0xFFFFFEF7, lr;
	s5 =	simm.s32 $0xFFFFFFFF;
	p2 =	slt.u32 s8, $0xFFFFF086  }
0x1c: {  	p1 =	slt.u32 s9, $0xF7A;
	s5 =	simm.s32 @!p2 $0x0  }
0x1d: {  	s5 =	simm.s32 @p1 $0x1;
	p0 =	seq.s32 s7, s2  }
0x1e: {  	s7 =	smul.u32 @!p0 $0xF7A, s2;
	p2 =	seq.s32 @!p0 s5, $0x0  }
0x1f: {  	s9 =	smul.u32 $0xF7A, s1;
	s8 =	simm.s32 @!p0 $0x1BF5;
	p2 =	por !p2, p0  }
0x20: {  	[sflag:s8] =	ssyncset.s32 @!p0 $0xFFFFF086;
	s6 =	sadd.s32 @!p0 s3, s7;
	s7 =	simm.s32 @!p0 $0x108  }
0x21: {  	s3 =	sadd.s32 s3, s9;
	s6 =	sadd.s32 @!p0 $0x88, s6;
	s7 =	simm.s32 @p2 $0x1082  }
0x22: {  	[simem:s7], [sflag:s8] =	dma.local @!p0 [hbm:s6], $0xF7A  }
0x23: {  	s9 =	sor.u32 $0xD0000000, s2;
	s6 =	simm.s32 $0x108;
	_ =	swait.ge @!p0 [sflag:s8], $0x0  }
0x24: {  	s3 =	sadd.s32 $0x88, s3;
	s6 =	simm.s32 @!p1 $0x1082;
	[sflag:s4] =	ssyncset.s32 $0xFFFFF086  }
0x25: {  	[simem:s6], [sflag:s4] =	dma.local [hbm:s3], $0xF7A  }
0x26: {  	[smem:$0x3F9E] =	sst s1;
	(tag) =	ssettag s2;
	_ =	strace s9  }
0x27: {  	s1 =	sld [smem:$0x3FAE]  }
0x28: {  	s2 =	sld [smem:$0x3FAF]  }
0x29: {  	s4 =	sld [smem:$0x3FB1]  }
0x2a: {  	p0 =	seq.s32 s5, $0x0;
	s5 =	sld [smem:$0x3FB2]  }
0x2b: {  	s6 =	sld [smem:$0x3FB3]  }
0x2c: {  	s7 =	sld [smem:$0x3FB4]  }
0x2d: {  	s3 =	simm.s32 $0x108;
	s8 =	sld [smem:$0x3FB5]  }
0x2e: {  	s3 =	simm.s32 @!p0 $0x1082;
	s9 =	sld [smem:$0x3FB6]  }
0x2f: {  	lr =	sadd.s32 s0, s3;
	s0 =	sld [smem:$0x3FAD]  }
0x30: {  	s3 =	sld [smem:$0x3FB0]  }
0x31: {  	[smem:$0x3FB9] =	sst s10  }
0x32: {  	s10 =	sld [smem:$0x3FB7];
	_ =	sdelay $0x3  }
0x33: {  	p0 =	seq.s32 s10, $0x1;
	s10 =	sld [smem:$0x3FB9];
	_ =	sdelay $0x3  }
0x34: {  	[smem:$0x3FB9] =	sst s10  }
0x35: {  	s10 =	sld [smem:$0x3FB8];
	_ =	sdelay $0x3  }
0x36: {  	p1 =	seq.s32 s10, $0x1;
	s10 =	sld [smem:$0x3FB9];
	_ =	sdelay $0x3  }
0x37: {  	[smem:$0x3FB9] =	sst s10  }
0x38: {  	s10 =	sld [smem:$0x3FBA]  }
0x39: {  	_ = 	snop;
	(pc) =	sbr.ind lr, $3  }
0x3a: {  	_ = 	snop  }
0x3b: {  	_ = 	snop  }
0x3c: {  	p2 =	seq.s32 s10, $0x1;
	s10 =	sld [smem:$0x3FB9]  }
0x3d: {  	_ =	shalt  }
0x3e: {  	_ =	shalt  }
0x3f: {  	_ =	shalt  }
0x40: {  	_ =	shalt  }
0x41: {  	_ =	shalt  }
0x42: {  	_ =	shalt  }
0x43: {  	_ =	shalt  }
0x44: {  	_ =	shalt  }
0x45: {  	_ =	shalt  }
0x46: {  	_ =	shalt  }
0x47: {  	_ =	shalt  }
0x48: {  	_ =	shalt  }
0x49: {  	_ =	shalt  }
0x4a: {  	_ =	shalt  }
0x4b: {  	_ =	shalt  }
0x4c: {  	_ =	shalt  }
0x4d: {  	_ =	shalt  }
0x4e: {  	_ =	shalt  }
0x4f: {  	_ =	shalt  }
0x50: {  	_ =	shalt  }
0x51: {  	_ =	shalt  }
0x52: {  	_ =	shalt  }
0x53: {  	_ =	shalt  }
0x54: {  	_ =	shalt  }
0x55: {  	_ =	shalt  }
0x56: {  	_ =	shalt  }
0x57: {  	_ =	shalt  }
0x58: {  	_ =	shalt  }
0x59: {  	_ =	shalt  }
0x5a: {  	_ =	shalt  }
0x5b: {  	_ =	shalt  }
0x5c: {  	_ =	shalt  }
0x5d: {  	_ =	shalt  }
0x5e: {  	_ =	shalt  }
0x5f: {  	_ =	shalt  }
0x60: {  	_ =	shalt  }
0x61: {  	_ =	shalt  }
0x62: {  	_ =	shalt  }
0x63: {  	_ =	shalt  }
0x64: {  	_ =	shalt  }
0x65: {  	_ =	shalt  }
0x66: {  	_ =	shalt  }
0x67: {  	_ =	shalt  }
0x68: {  	_ =	shalt  }
0x69: {  	_ =	shalt  }
0x6a: {  	_ =	shalt  }
0x6b: {  	_ =	shalt  }
0x6c: {  	_ =	shalt  }
0x6d: {  	_ =	shalt  }
0x6e: {  	_ =	shalt  }
0x6f: {  	_ =	shalt  }
0x70: {  	_ =	shalt  }
0x71: {  	_ =	shalt  }
0x72: {  	_ =	shalt  }
0x73: {  	_ =	shalt  }
0x74: {  	_ =	shalt  }
0x75: {  	_ =	shalt  }
0x76: {  	_ =	shalt  }
0x77: {  	_ =	shalt  }
0x78: {  	_ =	shalt  }
0x79: {  	_ =	shalt  }
0x7a: {  	_ =	shalt  }
0x7b: {  	_ =	shalt  }
0x7c: {  	_ =	shalt  }
0x7d: {  	_ =	shalt  }
0x7e: {  	_ =	shalt  }
0x7f: {  	_ =	shalt  }
0x80: {  	_ =	shalt  }
0x81: {  	_ =	shalt  }
0x82: {  	_ =	shalt  }
0x83: {  	_ =	shalt  }
0x84: {  	_ =	shalt  }
0x85: {  	_ =	shalt  }
0x86: {  	_ =	shalt  }
0x87: {  	_ =	shalt  }
.Lfunc_end0:
.L_simem_size_0:
called_computation_lowered:
.L_overlay_start_0:
0x88: {  	s2 =	sld [smem:$0x3FD9]  }
0x89: {  	s3 =	sld [smem:$0x3FFE];
	_ =	sdelay $0x1  }
0x8a: {  	s1 =	srdreg.scid  }
0x8b: {  	s0 =	sand.u32 $0x1, s1  }
0x8c: {  	s17 =	sshll.u32 s0, $0xA;
	s2 =	sadd.s32 s3, s2  }
0x8d: {  	s2 =	sadd.s32 s2, s17  }
0x8e: {  	[smem:$0x3FC5] =	sst s2  }
0x8f: {  	_ = 	snop  }
0x90: {  	s2 =	sld [smem:$0x3FC7]  }
0x91: {  	s18 =	sld [smem:$0x3FD0];
	(tm) =	ssettm $0x1  }
0x92: {  	s4 =	sld [smem:$0x3FFB];
	_ =	sdelay $0x3  }
0x93: {  	_ =	strace s4  }
0x94: {  	s4 =	sld [smem:$0x3FFC];
	_ =	sdelay $0x3  }
0x95: {  	_ =	strace s4  }
0x96: {  	s4 =	sld [smem:$0x3FFD];
	_ =	sdelay $0x3  }
0x97: {  	_ =	strace s4  }
0x98: {  	_ =	strace $0x8FFFFFFF  }
0x99: {  	s19 =	sld [smem:$0x3FDB];
	_ =	sdelay $0x1  }
0x9a: {  	s5 =	simm.s32 $_scs_section_size  }
0x9b: {  	s6 =	simm.s32 $_size__tile_overlayer_lowered;
	s7 =	simm.s32 $_tile_overlayer_lowered  }
0x9c: {  	s22 =	simm.s32 $0x1BFF;
	s21 =	sshll.u32 s7, $0x1;
	s4 =	sadd.s32 s5, s19  }
0x9d: {  	s8 =	simm.s32 $0x0;
	s20 =	sshll.u32 s6, $0x1;
	s6 =	sadd.s32 s21, s4  }
0x9e: {  	[timem:s8], [sflag:s22] =	dma.local [hbm:s6], s20  }
0x9f: {  	_ =	swait.ge [sflag:s22], s20  }
0xa0: {  	s5 =	ssub.s32 $0x0, s20;
	[sflag:s22] =	ssyncset.done $0x0  }
0xa1: {  	[sflag:s22] =	ssyncadd.s32 s5;
	_ =	sdelay $0x1  }
0xa2: {  	s23 =	simm.s32 $0x1B8B  }
0xa3: {  	_ =	swait.ge [sflag:s23], $0x1  }
0xa4: {  	[sflag:s23] =	ssyncset.done $0x0  }
0xa5: {  	s25 =	simm.s32 $0x1B8E;
	s24 =	sld [smem:$0x3FFE];
	[sflag:s23] =	ssyncadd.s32 $0xFFFFFFFF  }
0xa6: {  	s26 =	simm.s32 $execute0_lowered;
	[smem:$0x3FD2] =	sst s25  }
0xa7: {  	s6 =	sshll.u32 s26, $0x1;
	_ =	strace $0x80000046;
	[dreg:$0x1] =	wrdreg $0xFFFFFFFF  }
0xa8: {  	s28 =	simm.s32 $_size_execute0_lowered;
	s4 =	sadd.s32 s4, s6;
	[dreg:$0x0] =	wrdreg $0x0  }
0xa9: {  	s6 =	sshll.u32 s28, $0x1;
	[dreg:$0x2] =	wrdreg s4  }
0xaa: {  	[dreg:$0x3] =	wrdreg s6  }
0xab: {  	[dreg:$0x4] =	wrdreg $0xC0  }
0xac: {  	_ =	task [dreg:s8], $0x5FFFF  }
0xad: {  	[dreg:$0x1] =	wrdreg $0xFFFFFFFF  }
0xae: {  	[dreg:$0x0] =	wrdreg $0x60  }
0xaf: {  	[dreg:$0x2] =	wrdreg s2  }
0xb0: {  	[dreg:$0x3] =	wrdreg s24  }
0xb1: {  	[dreg:$0x4] =	wrdreg s18  }
0xb2: {  	[dreg:$0x5] =	wrdreg $0x9  }
0xb3: {  	_ =	task.clear_ibuf [dreg:s8], $0x6FFFF;
	_ =	strace $0x90000046  }
0xb4: {  	s29 =	simm.s32 $0x9;
	_ =	strace $0x80000048  }
0xb5: {  	_ =	swait.ge [sflag:s29], $0x1  }
0xb6: {  	[sflag:s29] =	ssyncadd.s32 $0xFFFFFFFF  }
0xb7: {  	_ =	strace $0x90000048  }
0xb8: {  	_ =	sfence  }
0xb9: {  	s30 =	sld [smem:$0x0];
	_ =	sdelay $0x2  }
0xba: {  	s31 =	sshll.u32 s1, $0xD;
	s1 =	sshrl.u32 s1, $0x2  }
0xbb: {  	s3 =	sand.u32 $0x4000, s31;
	s1 =	sadd.s32 s1, s30  }
0xbc: {  	s0 =	sor.u32 s3, s0;
	s1 =	sshll.u32 s1, $0x11  }
0xbd: {  	s0 =	sor.u32 s1, s0  }
0xbe: {  	s0 =	sadd.s32 $0x8F2B, s0  }
0xbf: {  	[sflag:s0] =	ssyncadd.remote.s32 $0x1  }
0xc0: {  	_ =	sfence.sel $0xFFFF  }
0xc1: {  	[dreg:$0x0] =	wrdreg $0xFFFFFFFF;
	(pc) =	sbr.abs _section_cstart, $3  }
0xc2: {  	[dreg:$0x1] =	wrdreg $0xFFFFFFFF  }
0xc3: {  	_ =	task.clear_ibuf [dreg:s8], $0x2FFFF;
	_ =	strace $0x9FFFFFFF  }
0xc4: {  	(tm) =	ssettm $0x7FFFFFFF  }
0xc5: {  	_ =	shalt  }
tec
execute0_lowered:
.L_overlay_start_1:
0x0: {  	(tag) =	ssettag $0x1  }
0x1: {  	v0 =	vlaneseq.u32  }
0x2: {  	v0 =	vmul.u32 $0x10, v0;
	_ =	sdelay $0x1  }
0x3: {  	s6 =	rddreg [dreg:$0x0];
	v2 =	vor.u32 $0x1, v0  }
0x4: {  	s7 =	rddreg [dreg:$0x1];
	[tilespmem:$0x1FEF0] =	vst v2;
	v2 =	vor.u32 $0x2, v0  }
0x5: {  	s8 =	rddreg [dreg:$0x2];
	s2 =	simm.s32 $0x0;
	[tilespmem:$0x1FF00] =	vst v2;
	v2 =	vor.u32 $0x3, v0  }
0x6: {  	s1 =	srdreg.scid;
	[smem:$0x7FF] =	sst s2;
	[tilespmem:$0x1FF10] =	vst v2;
	v2 =	vor.u32 $0x4, v0  }
0x7: {  	s4 =	sand.u32 $0x1, s1;
	s1 =	rddreg [dreg:$0x3];
	_ =	strace $0x80000047;
	[tilespmem:$0x1FF20] =	vst v2;
	v2 =	vor.u32 $0x5, v0  }
0x8: {  	s0 =	stileid.u32;
	[tilespmem:$0x1FF30] =	vst v2;
	v2 =	vor.u32 $0x6, v0  }
0x9: {  	s29 =	sshll.u32 s0, $0x1;
	[tilespmem:$0x1FF40] =	vst v2;
	v2 =	vor.u32 $0x7, v0  }
0xa: {  	s5 =	sor.u32 s4, s29;
	[tilespmem:$0x1FF50] =	vst v2;
	v2 =	vor.u32 $0x8, v0  }
0xb: {  	s3 =	simm.s32 $0x1;
	p1 =	seq.s32 s4, $0x1;
	p0 =	seq.s32 s5, $0x0;
	[tilespmem:$0x1FF60] =	vst v2;
	v2 =	vor.u32 $0x9, v0  }
0xc: {  	s11 =	simm.s32 $0x3;
	s12 =	simm.s32 $0x2;
	p0 =	por !p0, !p1;
	[tilespmem:$0x1FF70] =	vst v2;
	v2 =	vor.u32 $0xA, v0  }
0xd: {  	s13 =	simm.s32 $0xD000;
	s14 =	simm.s32 $0xD200;
	p0 =	por !p0, !p0;
	[tilespmem:$0x1FF80] =	vst v2;
	v2 =	vor.u32 $0xB, v0  }
0xe: {  	s15 =	simm.s32 $0x4;
	s16 =	simm.s32 $0x0;
	s3 =	simm.s32 @!p0 $0x0;
	[tilespmem:$0x1FF90] =	vst v2;
	v2 =	vor.u32 $0xC, v0  }
0xf: {  	s4 =	ssub.s32 $0x2, s4;
	s10 =	smul.u32 $0xC800, s5;
	s3 =	ssub.s32 s0, s3;
	[tilespmem:$0x1FFA0] =	vst v2;
	v2 =	vor.u32 $0xD, v0  }
0x10: {  	s30 =	sshrl.u32 s4, $0x1;
	s31 =	sshll.u32 s5, $0x2;
	v19 =	vor.u32 $0x102, v0;
	v20 =	vor.u32 $0x103, v0;
	s9 =	sshll.u32 s3, $0x8;
	[tilespmem:$0x1FFB0] =	vst v2;
	v2 =	vor.u32 $0xE, v0  }
0x11: {  	v21 =	vor.u32 $0x104, v0;
	v22 =	vor.u32 $0x105, v0;
	s10 =	sshrl.u32 s10, $0x3;
	s3 =	simm.s32 $0x1;
	s9 =	sand.u32 $0x1FFFFF00, s9;
	[tilespmem:$0x1FFC0] =	vst v2;
	v2 =	vor.u32 $0xF, v0  }
0x12: {  	v23 =	vor.u32 $0x106, v0;
	v24 =	vor.u32 $0x107, v0;
	s7 =	sadd.s32 s9, s7;
	s9 =	ssub.s32 s4, s30;
	s4 =	sadd.s32 s6, s10;
	[tilespmem:$0x1FFD0] =	vst v2;
	v2 =	vor.u32 $0x100, v0  }
0x13: {  	v1 =	vimm.f32 $0.0e+00;
	v25 =	vor.u32 $0x108, v0;
	s10 =	simm.s32 $0x6800;
	s5 =	sadd.s32 $0x800, s7;
	s6 =	sadd.s32 $0xD00, s4;
	[tilespmem:$0x1FFE0] =	vst v2;
	v2 =	vor.u32 $0x101, v0  }
0x14: {  	v26 =	vor.u32 $0x109, v0;
	v27 =	vor.u32 $0x10A, v0;
	v28 =	vor.u32 $0x10B, v0;
	s7 =	sadd.s32 s8, s31;
	s8 =	smax.u32 s9, $0x1;
	s9 =	simm.s32 $0xC800;
	[tilespmem:$0x1FFF0] =	vst v2  }
.LBB2_1:
0x15: {  	[tilespmem:s9], [sflag:$0x3] =	stream.linear.gather [hbm4b:s5+s2], $0x800, $0x38;
	[tilespmem:$0xD280] =	vst v63  }
0x16: {  	_ = 	snop  }
0x17: {  	[tilespmem:s2], [sflag:$0x1] =	stream.linear.gather [hbm4b:s4+s2], $0x6800, $0x38;
	[tilespmem:$0xD280] =	vst v63  }
0x18: {  	_ = 	snop  }
0x19: {  	[tilespmem:s10], [sflag:$0x2] =	stream.linear.gather [hbm4b:s6+s2], $0x6000, $0x38;
	[tilespmem:$0xD280] =	vst v63  }
0x1a: {  	_ =	swait.ge [sflag:s11], $0x800  }
0x1b: {  	[sflag:s11] =	ssyncset.done $0x0  }
0x1c: {  	[sflag:s11] =	ssyncadd.s32 $0xFFFFF800  }
0x1d: {  	_ =	swait.ge [sflag:s3], $0x6800  }
0x1e: {  	[sflag:s3] =	ssyncset.done $0x0  }
0x1f: {  	s17 =	simm.s32 $0x0;
	[sflag:s3] =	ssyncadd.s32 $0xFFFF9800  }
0x20: {  	v29 =	vld [tilespmem:s17+$0xC830]  }
0x21: {  	v2 =	vld [tilespmem:s17+$0x30]  }
0x22: {  	v3 =	vld [tilespmem:s17+$0x830]  }
0x23: {  	v4 =	vld [tilespmem:s17+$0x1030]  }
0x24: {  	v31 =	vld [tilespmem:s17+$0x1830]  }
0x25: {  	v32 =	vld [tilespmem:s17+$0x2030]  }
0x26: {  	v35 =	vld [tilespmem:s17+$0x2830]  }
0x27: {  	v36 =	vld [tilespmem:s17+$0x3030]  }
0x28: {  	v37 =	vld [tilespmem:s17+$0x3830]  }
0x29: {  	v38 =	vld [tilespmem:s17+$0x4030]  }
0x2a: {  	v39 =	vld [tilespmem:s17+$0x4830]  }
0x2b: {  	v42 =	vld [tilespmem:s17+$0x5030]  }
0x2c: {  	v30 =	vld [tilespmem:s17+$0xC820]  }
0x2d: {  	v44 =	vld [tilespmem:s17+$0x20]  }
0x2e: {  	v45 =	vld [tilespmem:s17+$0x820]  }
0x2f: {  	v46 =	vld [tilespmem:s17+$0x1020]  }
0x30: {  	v47 =	vld [tilespmem:s17+$0x1820]  }
0x31: {  	v48 =	vld [tilespmem:s17+$0x2020]  }
0x32: {  	v49 =	vld [tilespmem:s17+$0x2820]  }
0x33: {  	v50 =	vld [tilespmem:s17+$0x3020]  }
0x34: {  	v51 =	vld [tilespmem:s17+$0x3820]  }
0x35: {  	v52 =	vld [tilespmem:s17+$0x4020]  }
0x36: {  	v53 =	vld [tilespmem:s17+$0x4820]  }
0x37: {  	v34 =	vld [tilespmem:s17+$0xC800]  }
0x38: {  	v54 =	vld [tilespmem:s17+$0x0];
	v2 =	vmul.f32 v2, v29;
	v3 =	vmul.f32 v3, v29  }
0x39: {  	v33 =	vld [tilespmem:s17+$0xC810];
	v4 =	vmul.f32 v4, v29;
	v61 =	vmul.f32 v31, v29  }
0x3a: {  	v11 =	vld [tilespmem:s17+$0x10];
	v62 =	vmul.f32 v32, v29;
	v40 =	vmul.f32 v35, v29  }
0x3b: {  	v12 =	vld [tilespmem:s17+$0x5020];
	v43 =	vmul.f32 v36, v29;
	v41 =	vmul.f32 v37, v29  }
0x3c: {  	v13 =	vld [tilespmem:s17+$0x810];
	v38 =	vmul.f32 v38, v29;
	v31 =	vmul.f32 v39, v29  }
0x3d: {  	s20 =	sand.u32 $0x7C0, s2;
	v15 =	vld [tilespmem:s17+$0x1010];
	v14 =	vmul.f32 v44, v30;
	v32 =	vmul.f32 v42, v29  }
0x3e: {  	v59 =	vld [tilespmem:s20+$0x1000];
	v55 =	vmul.f32 v54, v34;
	v45 =	vmul.f32 v45, v30  }
0x3f: {  	v58 =	vld [tilespmem:s20+$0x800];
	v60 =	vmul.f32 v46, v30;
	v47 =	vmul.f32 v47, v30  }
0x40: {  	v63 =	vld [tilespmem:s20+$0x1800];
	v35 =	vmul.f32 v11, v33;
	v48 =	vmul.f32 v48, v30  }
0x41: {  	v5 =	vld [tilespmem:s20+$0x2000];
	v54 =	vmul.f32 v49, v30;
	v56 =	vmul.f32 v50, v30  }
0x42: {  	v8 =	vld [tilespmem:s17+$0x1810];
	v57 =	vmul.f32 v52, v30;
	v49 =	vmul.f32 v53, v30  }
0x43: {  	v10 =	vld [tilespmem:s20+$0x3000];
	v46 =	vmul.f32 v12, v30;
	v12 =	vmul.f32 v59, v34;
	v42 =	vadd.f32 v55, v1  }
0x44: {  	v50 =	vld [tilespmem:s17+$0x2010];
	v36 =	vmul.f32 v13, v33;
	v37 =	vmul.f32 v15, v33  }
0x45: {  	v11 =	vmul.f32 v58, v34;
	v13 =	vld [tilespmem:s17+$0x3010];
	v9 =	vadd.f32 v12, v1;
	v35 =	vadd.f32 v35, v42  }
0x46: {  	v44 =	vld [tilespmem:s17+$0x2810];
	v5 =	vmul.f32 v5, v34;
	v55 =	vmul.f32 v51, v30  }
0x47: {  	v15 =	vld [tilespmem:s20+$0x2800];
	v37 =	vadd.f32 v37, v9;
	v35 =	vadd.f32 v14, v35;
	v14 =	vmul.f32 v63, v34  }
0x48: {  	v5 =	vadd.f32 v5, v1;
	v51 =	vmul.f32 v10, v34;
	v42 =	vmul.f32 v8, v33  }
0x49: {  	v6 =	vld [tilespmem:s20+$0x3800];
	v50 =	vmul.f32 v50, v33;
	v37 =	vadd.f32 v60, v37;
	v53 =	vadd.f32 v14, v1  }
0x4a: {  	v59 =	vmul.f32 v13, v33;
	v13 =	vld [tilespmem:s17+$0x3810];
	v35 =	vadd.f32 v2, v35;
	v2 =	vadd.f32 v11, v1  }
0x4b: {  	v58 =	vmul.f32 v44, v33;
	v5 =	vadd.f32 v50, v5;
	v11 =	vld [tilespmem:s20+$0x4000];
	v12 =	vadd.f32 v42, v53  }
0x4c: {  	v14 =	vmul.f32 v15, v34;
	v39 =	vadd.f32 v4, v37;
	v2 =	vadd.f32 v36, v2  }
0x4d: {  	v44 =	vimm.f32 $0.0e+00;
	v15 =	vld [tilespmem:s17+$0x4010];
	v5 =	vadd.f32 v48, v5;
	v47 =	vadd.f32 v47, v12  }
0x4e: {  	v60 =	vld [tilespmem:s17+$0x4810];
	v48 =	vimm.f32 $0.0e+00;
	v63 =	vadd.f32 v14, v1;
	v2 =	vadd.f32 v45, v2  }
0x4f: {  	v53 =	vmul.f32 v13, v33;
	v36 =	vadd.f32 v62, v5;
	v37 =	vadd.f32 v61, v47;
	v61 =	vld [tilespmem:s17+$0x5010]  }
0x50: {  	v62 =	vld [tilespmem:s20+$0x4800];
	v4 =	vmul.f32 v11, v34;
	v42 =	vadd.f32 v3, v2;
	v3 =	vmul.f32 v6, v34  }
0x51: {  	v52 =	vld [tilespmem:s20+$0x5000];
	v45 =	vimm.f32 $0.0e+00;
	v2 =	vadd.f32 v51, v1;
	v47 =	vimm.f32 $0.0e+00  }
0x52: {  	s18 =	simm.s32 $0x100;
	s19 =	simm.s32 $0x0;
	v50 =	vld [tilespmem:s20+$0x5800];
	v51 =	vadd.f32 v4, v1;
	v4 =	vmul.f32 v15, v33;
	v3 =	vadd.f32 v3, v1  }
.LBB2_2:
0x53: {  	p0 =	sne.s32 s18, $0x1F00;
	v5 =	vld [tilespmem:s20+$0x6000];
	v6 =	vadd.f32 v58, v63;
	v2 =	vadd.f32 v59, v2;
	v58 =	vmul.f32 v60, v33  }
0x54: {  	v3 =	vadd.f32 v53, v3;
	v4 =	vadd.f32 v4, v51;
	v59 =	vmul.f32 v61, v33;
	v60 =	vld [tilespmem:s17+$0x5810]  }
0x55: {  	v61 =	vmul.f32 v62, v34;
	v62 =	vld [tilespmem:s17+$0x6010];
	v6 =	vadd.f32 v54, v6;
	v2 =	vadd.f32 v56, v2  }
0x56: {  	v54 =	vmul.f32 v52, v34;
	v3 =	vadd.f32 v55, v3;
	v4 =	vadd.f32 v57, v4;
	v55 =	vld [tilespmem:s17+$0x5820]  }
0x57: {  	v56 =	vmul.f32 v50, v34;
	v57 =	vld [tilespmem:s17+$0x6020];
	v52 =	vadd.f32 v40, v6;
	v53 =	vadd.f32 v43, v2  }
0x58: {  	v2 =	vmul.f32 v5, v34;
	v50 =	vadd.f32 v41, v3;
	v51 =	vadd.f32 v38, v4;
	v3 =	vld [tilespmem:s17+$0x5830]  }
0x59: {  	v4 =	vadd.f32 v61, v48;
	v5 =	vadd.f32 v54, v47;
	v6 =	vmul.f32 v60, v33;
	v34 =	vld [tilespmem:s17+$0x6030];
	s17 =	sshra.s32 s18, $0x2  }
0x5a: {  	v40 =	vadd.f32 v56, v45;
	v38 =	vld [tilespmem:s17+$0xC830];
	v2 =	vadd.f32 v2, v44;
	v33 =	vmul.f32 v62, v33  }
0x5b: {  	v4 =	vadd.f32 v58, v4;
	v5 =	vadd.f32 v59, v5;
	v41 =	vld [tilespmem:s17+$0x30];
	v43 =	vmul.f32 v55, v30  }
0x5c: {  	v6 =	vadd.f32 v6, v40;
	v54 =	vld [tilespmem:s17+$0x830];
	v2 =	vadd.f32 v33, v2;
	v30 =	vmul.f32 v57, v30  }
0x5d: {  	v4 =	vadd.f32 v49, v4;
	v5 =	vadd.f32 v46, v5;
	v33 =	vld [tilespmem:s17+$0x1030];
	v3 =	vmul.f32 v3, v29  }
0x5e: {  	v6 =	vadd.f32 v43, v6;
	v40 =	vld [tilespmem:s17+$0x1830];
	v2 =	vadd.f32 v30, v2;
	v30 =	vmul.f32 v34, v29  }
0x5f: {  	v48 =	vadd.f32 v31, v4;
	v47 =	vadd.f32 v32, v5;
	v43 =	vld [tilespmem:s17+$0x2030];
	v29 =	vmov v38  }
0x60: {  	v45 =	vadd.f32 v3, v6;
	v4 =	vld [tilespmem:s17+$0x2830];
	v44 =	vadd.f32 v30, v2  }
0x61: {  	v2 =	vld [tilespmem:s17+$0x3030]  }
0x62: {  	v3 =	vld [tilespmem:s17+$0x3830]  }
0x63: {  	v5 =	vld [tilespmem:s17+$0x4030]  }
0x64: {  	v6 =	vld [tilespmem:s17+$0x4830]  }
0x65: {  	v32 =	vld [tilespmem:s17+$0x5030]  }
0x66: {  	v30 =	vld [tilespmem:s17+$0xC820]  }
0x67: {  	v46 =	vld [tilespmem:s17+$0x20]  }
0x68: {  	v49 =	vld [tilespmem:s17+$0x820]  }
0x69: {  	v55 =	vld [tilespmem:s17+$0x1020]  }
0x6a: {  	v56 =	vld [tilespmem:s17+$0x1820]  }
0x6b: {  	v57 =	vld [tilespmem:s17+$0x2020]  }
0x6c: {  	v58 =	vld [tilespmem:s17+$0x2820]  }
0x6d: {  	v59 =	vld [tilespmem:s17+$0x3020]  }
0x6e: {  	v60 =	vld [tilespmem:s17+$0x3820]  }
0x6f: {  	v61 =	vld [tilespmem:s17+$0x4020]  }
0x70: {  	v62 =	vld [tilespmem:s17+$0x4820]  }
0x71: {  	v63 =	vld [tilespmem:s17+$0x5020]  }
0x72: {  	v7 =	vmul.f32 v41, v29;
	v8 =	vmul.f32 v54, v29;
	v34 =	vld [tilespmem:s17+$0xC800]  }
0x73: {  	v9 =	vmul.f32 v33, v29;
	v10 =	vmul.f32 v40, v29;
	v54 =	vld [tilespmem:s17+$0x0]  }
0x74: {  	v11 =	vmul.f32 v43, v29;
	v40 =	vmul.f32 v4, v29;
	v33 =	vld [tilespmem:s17+$0xC810]  }
0x75: {  	v43 =	vmul.f32 v2, v29;
	v41 =	vmul.f32 v3, v29;
	v4 =	vld [tilespmem:s17+$0x10]  }
0x76: {  	s19 =	sadd.s32 $0x40, s19;
	v38 =	vmul.f32 v5, v29;
	v31 =	vmul.f32 v6, v29;
	v2 =	vld [tilespmem:s17+$0x810]  }
0x77: {  	s20 =	sand.u32 $0x7C0, s19;
	v32 =	vmul.f32 v32, v29;
	v5 =	vmul.f32 v46, v30;
	v3 =	vld [tilespmem:s17+$0x1010]  }
0x78: {  	v13 =	vmul.f32 v49, v30;
	v6 =	vmul.f32 v54, v34;
	v12 =	vld [tilespmem:s20+$0x800]  }
0x79: {  	v15 =	vmul.f32 v55, v30;
	v16 =	vmul.f32 v56, v30;
	v14 =	vld [tilespmem:s20+$0x1000]  }
0x7a: {  	v17 =	vmul.f32 v57, v30;
	v6 =	vadd.f32 v6, v35;
	v35 =	vld [tilespmem:s20+$0x1800];
	v4 =	vmul.f32 v4, v33  }
0x7b: {  	v56 =	vmul.f32 v59, v30;
	v54 =	vmul.f32 v58, v30;
	v18 =	vld [tilespmem:s20+$0x2000]  }
0x7c: {  	v55 =	vmul.f32 v60, v30;
	v57 =	vmul.f32 v61, v30;
	v4 =	vadd.f32 v4, v6;
	v6 =	vld [tilespmem:s17+$0x1810]  }
0x7d: {  	v49 =	vmul.f32 v62, v30;
	v46 =	vmul.f32 v63, v30;
	v58 =	vld [tilespmem:s17+$0x2010]  }
0x7e: {  	v2 =	vmul.f32 v2, v33;
	v3 =	vmul.f32 v3, v33;
	v59 =	vld [tilespmem:s17+$0x2810];
	v4 =	vadd.f32 v5, v4  }
0x7f: {  	v5 =	vmul.f32 v12, v34;
	v12 =	vmul.f32 v14, v34;
	v14 =	vld [tilespmem:s17+$0x3010]  }
0x80: {  	v60 =	vmul.f32 v35, v34;
	v18 =	vmul.f32 v18, v34;
	v61 =	vld [tilespmem:s20+$0x2800];
	v35 =	vadd.f32 v7, v4  }
0x81: {  	v4 =	vadd.f32 v5, v42;
	v5 =	vadd.f32 v12, v39;
	v7 =	vld [tilespmem:s20+$0x3000];
	v6 =	vmul.f32 v6, v33  }
0x82: {  	v12 =	vadd.f32 v60, v37;
	v18 =	vadd.f32 v18, v36;
	v36 =	vld [tilespmem:s20+$0x3800];
	v37 =	vmul.f32 v58, v33  }
0x83: {  	v2 =	vadd.f32 v2, v4;
	v3 =	vadd.f32 v3, v5;
	v62 =	vld [tilespmem:s20+$0x4000];
	v58 =	vmul.f32 v59, v33  }
0x84: {  	v4 =	vadd.f32 v6, v12;
	v5 =	vadd.f32 v37, v18;
	v59 =	vmul.f32 v14, v33;
	v6 =	vld [tilespmem:s17+$0x3810]  }
0x85: {  	v2 =	vadd.f32 v13, v2;
	v3 =	vadd.f32 v15, v3;
	v12 =	vmul.f32 v61, v34;
	v14 =	vld [tilespmem:s17+$0x4010]  }
.Ltmp0:
0x86: {  	v4 =	vadd.f32 v16, v4;
	v7 =	vmul.f32 v7, v34;
	v60 =	vld [tilespmem:s17+$0x4810];
	v5 =	vadd.f32 v17, v5;
	(pc) =	sbr.rel @p0 .LBB2_2-.Ltmp0, $4  }
0x87: {  	v42 =	vadd.f32 v8, v2;
	v39 =	vadd.f32 v9, v3;
	v13 =	vmul.f32 v36, v34;
	v61 =	vld [tilespmem:s17+$0x5010]  }
0x88: {  	v37 =	vadd.f32 v10, v4;
	v8 =	vmul.f32 v62, v34;
	v62 =	vld [tilespmem:s20+$0x4800];
	v36 =	vadd.f32 v11, v5  }
0x89: {  	v63 =	vadd.f32 v12, v52;
	v2 =	vadd.f32 v7, v53;
	v52 =	vld [tilespmem:s20+$0x5000];
	v53 =	vmul.f32 v6, v33  }
0x8a: {  	s18 =	sadd.s32 $0x100, s18;
	v3 =	vadd.f32 v13, v50;
	v51 =	vadd.f32 v8, v51;
	v50 =	vld [tilespmem:s20+$0x5800];
	v4 =	vmul.f32 v14, v33  }
0x8b: {  	v5 =	vld [tilespmem:s20+$0x6000]  }
0x8c: {  	v6 =	vld [tilespmem:s17+$0x5810]  }
0x8d: {  	v7 =	vld [tilespmem:s17+$0x6010];
	v8 =	vadd.f32 v58, v63;
	v2 =	vadd.f32 v59, v2  }
0x8e: {  	v9 =	vld [tilespmem:s17+$0x5820];
	v10 =	vmul.f32 v60, v33;
	v3 =	vadd.f32 v53, v3;
	v4 =	vadd.f32 v4, v51  }
0x8f: {  	v11 =	vld [tilespmem:s17+$0x6020];
	v12 =	vmul.f32 v61, v33;
	v8 =	vadd.f32 v54, v8;
	v2 =	vadd.f32 v56, v2  }
0x90: {  	v13 =	vld [tilespmem:s17+$0x5830];
	v14 =	vmul.f32 v62, v34;
	v3 =	vadd.f32 v55, v3;
	v4 =	vadd.f32 v57, v4  }
0x91: {  	v15 =	vld [tilespmem:s17+$0x6030];
	[tilespmem:$0xD000] =	vst v35;
	v16 =	vmul.f32 v52, v34;
	v8 =	vadd.f32 v40, v8;
	v2 =	vadd.f32 v43, v2  }
0x92: {  	[tilespmem:$0xD010] =	vst v42;
	v17 =	vmul.f32 v50, v34;
	v14 =	vadd.f32 v14, v48;
	v3 =	vadd.f32 v41, v3  }
0x93: {  	[tilespmem:$0xD020] =	vst v39;
	v5 =	vmul.f32 v5, v34;
	v4 =	vadd.f32 v38, v4;
	v16 =	vadd.f32 v16, v47  }
0x94: {  	[tilespmem:$0xD030] =	vst v37;
	v6 =	vmul.f32 v6, v33;
	v17 =	vadd.f32 v17, v45;
	v10 =	vadd.f32 v10, v14  }
0x95: {  	[tilespmem:$0xD040] =	vst v36;
	v7 =	vmul.f32 v7, v33;
	v5 =	vadd.f32 v5, v44;
	v12 =	vadd.f32 v12, v16  }
0x96: {  	v9 =	vmul.f32 v9, v30;
	[tilespmem:$0xD050] =	vst v8;
	v6 =	vadd.f32 v6, v17;
	v10 =	vadd.f32 v49, v10  }
0x97: {  	[tilespmem:$0xD060] =	vst v2;
	v5 =	vadd.f32 v7, v5;
	v7 =	vmul.f32 v11, v30;
	v49 =	vadd.f32 v46, v12  }
0x98: {  	v2 =	vmul.f32 v13, v29;
	[tilespmem:$0xD070] =	vst v3;
	v6 =	vadd.f32 v9, v6;
	v50 =	vadd.f32 v31, v10  }
0x99: {  	[tilespmem:$0xD080] =	vst v4;
	v3 =	vadd.f32 v7, v5;
	v5 =	vmul.f32 v15, v29;
	v7 =	vadd.f32 v32, v49  }
0x9a: {  	v2 =	vadd.f32 v2, v6;
	[tilespmem:$0xD090] =	vst v50  }
0x9b: {  	v3 =	vadd.f32 v5, v3;
	[tilespmem:$0xD0A0] =	vst v7  }
0x9c: {  	[tilespmem:$0xD0B0] =	vst v2  }
0x9d: {  	[tilespmem:$0xD0C0] =	vst v3  }
0x9e: {  	_ =	swait.ge [sflag:s12], $0x6000  }
0x9f: {  	[sflag:s12] =	ssyncset.done $0x0  }
0xa0: {  	s17 =	simm.s32 $0x0;
	[sflag:s12] =	ssyncadd.s32 $0xFFFFA000  }
0xa1: {  	v29 =	vld [tilespmem:s17+$0xC830]  }
0xa2: {  	v2 =	vld [tilespmem:s17+$0x6830]  }
0xa3: {  	v3 =	vld [tilespmem:s17+$0x7030]  }
0xa4: {  	v4 =	vld [tilespmem:s17+$0x7830]  }
0xa5: {  	v5 =	vld [tilespmem:s17+$0x8030]  }
0xa6: {  	v6 =	vld [tilespmem:s17+$0x8830]  }
0xa7: {  	v7 =	vld [tilespmem:s17+$0x9030]  }
0xa8: {  	v51 =	vld [tilespmem:s17+$0x9830]  }
0xa9: {  	v52 =	vld [tilespmem:s17+$0xA030]  }
0xaa: {  	v53 =	vld [tilespmem:s17+$0xA830]  }
0xab: {  	v54 =	vld [tilespmem:s17+$0xB030]  }
0xac: {  	v30 =	vld [tilespmem:s17+$0xC820]  }
0xad: {  	v55 =	vld [tilespmem:s17+$0x6820]  }
0xae: {  	v56 =	vld [tilespmem:s17+$0x7020]  }
0xaf: {  	v57 =	vld [tilespmem:s17+$0x7820]  }
0xb0: {  	v58 =	vld [tilespmem:s17+$0x8020]  }
0xb1: {  	v16 =	vld [tilespmem:s17+$0x8820]  }
0xb2: {  	v17 =	vld [tilespmem:s17+$0x9020]  }
0xb3: {  	v18 =	vld [tilespmem:s17+$0x9820]  }
0xb4: {  	v59 =	vld [tilespmem:s17+$0xA020]  }
0xb5: {  	v60 =	vld [tilespmem:s17+$0xA820]  }
0xb6: {  	v61 =	vld [tilespmem:s17+$0xB020]  }
0xb7: {  	v33 =	vld [tilespmem:s17+$0xC810]  }
0xb8: {  	v62 =	vld [tilespmem:s17+$0x6810];
	v2 =	vmul.f32 v2, v29  }
0xb9: {  	s18 =	simm.s32 $0x0;
	v63 =	vld [tilespmem:s17+$0x7010];
	v3 =	vmul.f32 v3, v29;
	v4 =	vmul.f32 v4, v29  }
0xba: {  	s20 =	sand.u32 $0x7C0, s18;
	v41 =	vld [tilespmem:s17+$0xC800];
	v5 =	vmul.f32 v5, v29;
	v44 =	vmul.f32 v6, v29  }
0xbb: {  	v46 =	vld [tilespmem:s20+$0x7800];
	v42 =	vmul.f32 v7, v29;
	v45 =	vmul.f32 v51, v29  }
0xbc: {  	v47 =	vld [tilespmem:s20+$0x8000];
	v40 =	vmul.f32 v52, v29;
	v32 =	vmul.f32 v53, v29  }
0xbd: {  	v48 =	vld [tilespmem:s17+$0x7810];
	v31 =	vmul.f32 v54, v29;
	v8 =	vmul.f32 v55, v30  }
0xbe: {  	v49 =	vld [tilespmem:s17+$0x8010];
	v9 =	vmul.f32 v56, v30;
	v11 =	vmul.f32 v57, v30  }
0xbf: {  	v50 =	vld [tilespmem:s17+$0x9010];
	v12 =	vmul.f32 v58, v30;
	v53 =	vmul.f32 v16, v30  }
0xc0: {  	v6 =	vld [tilespmem:s20+$0x6800];
	v54 =	vmul.f32 v17, v30;
	v55 =	vmul.f32 v18, v30  }
0xc1: {  	v7 =	vld [tilespmem:s20+$0x7000];
	v56 =	vmul.f32 v59, v30;
	v43 =	vmul.f32 v60, v30  }
0xc2: {  	v38 =	vmul.f32 v61, v30;
	v10 =	vmul.f32 v46, v41  }
0xc3: {  	v34 =	vimm.f32 $0.0e+00;
	v16 =	vmul.f32 v62, v33;
	v18 =	vld [tilespmem:s17+$0x8810];
	v13 =	vmul.f32 v47, v41  }
0xc4: {  	v17 =	vmul.f32 v63, v33;
	v51 =	vld [tilespmem:s20+$0x8800];
	v14 =	vmul.f32 v48, v33;
	v10 =	vadd.f32 v10, v34  }
0xc5: {  	v52 =	vld [tilespmem:s20+$0x9000];
	v15 =	vmul.f32 v49, v33;
	v13 =	vadd.f32 v13, v34;
	v6 =	vmul.f32 v6, v41  }
0xc6: {  	v48 =	vld [tilespmem:s20+$0x9800];
	v60 =	vmul.f32 v50, v33;
	v10 =	vadd.f32 v14, v10;
	v7 =	vmul.f32 v7, v41  }
0xc7: {  	v46 =	vimm.f32 $0.0e+00;
	v13 =	vadd.f32 v15, v13;
	v6 =	vadd.f32 v6, v34  }
0xc8: {  	v49 =	vld [tilespmem:s20+$0xA000];
	v57 =	vmul.f32 v18, v33;
	v63 =	vadd.f32 v11, v10;
	v7 =	vadd.f32 v7, v34  }
0xc9: {  	v50 =	vld [tilespmem:s17+$0x9810];
	v51 =	vmul.f32 v51, v41;
	v35 =	vadd.f32 v12, v13;
	v6 =	vadd.f32 v16, v6  }
0xca: {  	v52 =	vmul.f32 v52, v41;
	v36 =	vadd.f32 v4, v63;
	v7 =	vadd.f32 v17, v7;
	v16 =	vld [tilespmem:s17+$0xA010]  }
0xcb: {  	v58 =	vld [tilespmem:s17+$0xA810];
	v47 =	vmul.f32 v48, v41;
	v35 =	vadd.f32 v5, v35;
	v6 =	vadd.f32 v8, v6  }
0xcc: {  	v59 =	vld [tilespmem:s17+$0xB010];
	v48 =	vimm.f32 $0.0e+00;
	v4 =	vadd.f32 v52, v34;
	v7 =	vadd.f32 v9, v7  }
0xcd: {  	v61 =	vld [tilespmem:s20+$0xA800];
	v52 =	vadd.f32 v47, v34;
	v39 =	vadd.f32 v2, v6;
	v6 =	vmul.f32 v49, v41  }
0xce: {  	v47 =	vimm.f32 $0.0e+00;
	v37 =	vadd.f32 v3, v7;
	v3 =	vadd.f32 v51, v34;
	v51 =	vld [tilespmem:s20+$0xB000]  }
0xcf: {  	s19 =	simm.s32 $0x100;
	v2 =	vmul.f32 v50, v33;
	v49 =	vld [tilespmem:s20+$0xB800];
	v62 =	vmul.f32 v16, v33;
	v50 =	vadd.f32 v6, v34  }
.LBB2_4:
0xd0: {  	p0 =	sne.s32 s19, $0x1F00;
	v5 =	vld [tilespmem:s20+$0xC000];
	v3 =	vadd.f32 v57, v3;
	v4 =	vadd.f32 v60, v4;
	v6 =	vmul.f32 v58, v33  }
0xd1: {  	v2 =	vadd.f32 v2, v52;
	v7 =	vadd.f32 v62, v50;
	v8 =	vmul.f32 v59, v33;
	v9 =	vld [tilespmem:s17+$0xB810]  }
0xd2: {  	v10 =	vmul.f32 v61, v41;
	v11 =	vld [tilespmem:s17+$0xC010];
	v3 =	vadd.f32 v53, v3;
	v4 =	vadd.f32 v54, v4  }
0xd3: {  	v12 =	vmul.f32 v51, v41;
	v2 =	vadd.f32 v55, v2;
	v7 =	vadd.f32 v56, v7;
	v13 =	vld [tilespmem:s17+$0xB820]  }
0xd4: {  	v14 =	vmul.f32 v49, v41;
	v15 =	vld [tilespmem:s17+$0xC020];
	v51 =	vadd.f32 v44, v3;
	v52 =	vadd.f32 v42, v4  }
0xd5: {  	v3 =	vmul.f32 v5, v41;
	v49 =	vadd.f32 v45, v2;
	v50 =	vadd.f32 v40, v7;
	v2 =	vld [tilespmem:s17+$0xB830]  }
0xd6: {  	v4 =	vadd.f32 v10, v34;
	v5 =	vadd.f32 v12, v48;
	v7 =	vmul.f32 v9, v33;
	v9 =	vld [tilespmem:s17+$0xC030];
	s17 =	sshra.s32 s19, $0x2  }
0xd7: {  	v12 =	vadd.f32 v14, v47;
	v10 =	vld [tilespmem:s17+$0xC830];
	v3 =	vadd.f32 v3, v46;
	v11 =	vmul.f32 v11, v33  }
0xd8: {  	v4 =	vadd.f32 v6, v4;
	v5 =	vadd.f32 v8, v5;
	v14 =	vld [tilespmem:s17+$0x6830];
	v6 =	vmul.f32 v13, v30  }
0xd9: {  	v7 =	vadd.f32 v7, v12;
	v8 =	vld [tilespmem:s17+$0x7030];
	v3 =	vadd.f32 v11, v3;
	v11 =	vmul.f32 v15, v30  }
0xda: {  	v4 =	vadd.f32 v43, v4;
	v5 =	vadd.f32 v38, v5;
	v12 =	vld [tilespmem:s17+$0x7830];
	v2 =	vmul.f32 v2, v29  }
0xdb: {  	v6 =	vadd.f32 v6, v7;
	v13 =	vld [tilespmem:s17+$0x8030];
	v3 =	vadd.f32 v11, v3;
	v7 =	vmul.f32 v9, v29  }
0xdc: {  	v34 =	vadd.f32 v32, v4;
	v48 =	vadd.f32 v31, v5;
	v9 =	vld [tilespmem:s17+$0x8830];
	v29 =	vmov v10  }
0xdd: {  	v47 =	vadd.f32 v2, v6;
	v4 =	vld [tilespmem:s17+$0x9030];
	v46 =	vadd.f32 v7, v3  }
0xde: {  	v2 =	vld [tilespmem:s17+$0x9830]  }
0xdf: {  	v3 =	vld [tilespmem:s17+$0xA030]  }
0xe0: {  	v5 =	vld [tilespmem:s17+$0xA830]  }
0xe1: {  	v6 =	vld [tilespmem:s17+$0xB030]  }
0xe2: {  	v30 =	vld [tilespmem:s17+$0xC820]  }
0xe3: {  	v7 =	vld [tilespmem:s17+$0x6820]  }
0xe4: {  	v10 =	vld [tilespmem:s17+$0x7020]  }
0xe5: {  	v11 =	vld [tilespmem:s17+$0x7820]  }
0xe6: {  	v15 =	vld [tilespmem:s17+$0x8020]  }
0xe7: {  	v16 =	vld [tilespmem:s17+$0x8820]  }
0xe8: {  	v17 =	vld [tilespmem:s17+$0x9020]  }
0xe9: {  	v18 =	vld [tilespmem:s17+$0x9820]  }
0xea: {  	v38 =	vld [tilespmem:s17+$0xA020]  }
0xeb: {  	v43 =	vld [tilespmem:s17+$0xA820]  }
0xec: {  	v57 =	vld [tilespmem:s17+$0xB020]  }
0xed: {  	v14 =	vmul.f32 v14, v29;
	v8 =	vmul.f32 v8, v29;
	v33 =	vld [tilespmem:s17+$0xC810]  }
0xee: {  	v12 =	vmul.f32 v12, v29;
	v13 =	vmul.f32 v13, v29;
	v58 =	vld [tilespmem:s17+$0x6810]  }
0xef: {  	s18 =	sadd.s32 $0x40, s18;
	v44 =	vmul.f32 v9, v29;
	v42 =	vmul.f32 v4, v29;
	v59 =	vld [tilespmem:s17+$0x7010]  }
0xf0: {  	s20 =	sand.u32 $0x7C0, s18;
	v45 =	vmul.f32 v2, v29;
	v40 =	vmul.f32 v3, v29;
	v41 =	vld [tilespmem:s17+$0xC800]  }
0xf1: {  	v32 =	vmul.f32 v5, v29;
	v31 =	vmul.f32 v6, v29;
	v2 =	vld [tilespmem:s20+$0x6800]  }
0xf2: {  	v4 =	vmul.f32 v7, v30;
	v5 =	vmul.f32 v10, v30;
	v3 =	vld [tilespmem:s20+$0x7000]  }
0xf3: {  	v7 =	vmul.f32 v11, v30;
	v9 =	vmul.f32 v15, v30;
	v6 =	vld [tilespmem:s20+$0x7800]  }
0xf4: {  	v53 =	vmul.f32 v16, v30;
	v54 =	vmul.f32 v17, v30;
	v10 =	vld [tilespmem:s20+$0x8000]  }
0xf5: {  	v55 =	vmul.f32 v18, v30;
	v56 =	vmul.f32 v38, v30;
	v11 =	vld [tilespmem:s17+$0x7810]  }
0xf6: {  	v43 =	vmul.f32 v43, v30;
	v38 =	vmul.f32 v57, v30;
	v15 =	vld [tilespmem:s17+$0x8010]  }
0xf7: {  	v16 =	vmul.f32 v58, v33;
	v17 =	vmul.f32 v59, v33;
	v18 =	vld [tilespmem:s17+$0x8810]  }
0xf8: {  	v2 =	vmul.f32 v2, v41;
	v3 =	vmul.f32 v3, v41;
	v58 =	vld [tilespmem:s17+$0x9010]  }
0xf9: {  	v6 =	vmul.f32 v6, v41;
	v10 =	vmul.f32 v10, v41;
	v59 =	vld [tilespmem:s20+$0x8800]  }
0xfa: {  	v2 =	vadd.f32 v2, v39;
	v3 =	vadd.f32 v3, v37;
	v37 =	vld [tilespmem:s20+$0x9000];
	v11 =	vmul.f32 v11, v33  }
0xfb: {  	v6 =	vadd.f32 v6, v36;
	v10 =	vadd.f32 v10, v35;
	v35 =	vld [tilespmem:s20+$0x9800];
	v15 =	vmul.f32 v15, v33  }
0xfc: {  	v2 =	vadd.f32 v16, v2;
	v3 =	vadd.f32 v17, v3;
	v36 =	vld [tilespmem:s20+$0xA000];
	v57 =	vmul.f32 v18, v33  }
0xfd: {  	v6 =	vadd.f32 v11, v6;
	v10 =	vadd.f32 v15, v10;
	v60 =	vmul.f32 v58, v33;
	v11 =	vld [tilespmem:s17+$0x9810]  }
0xfe: {  	v2 =	vadd.f32 v4, v2;
	v3 =	vadd.f32 v5, v3;
	v15 =	vmul.f32 v59, v41;
	v16 =	vld [tilespmem:s17+$0xA010]  }
.Ltmp1:
0xff: {  	v5 =	vadd.f32 v7, v6;
	v4 =	vmul.f32 v37, v41;
	v58 =	vld [tilespmem:s17+$0xA810];
	v6 =	vadd.f32 v9, v10;
	(pc) =	sbr.rel @p0 .LBB2_4-.Ltmp1, $4  }
0x100: {  	v39 =	vadd.f32 v14, v2;
	v37 =	vadd.f32 v8, v3;
	v7 =	vmul.f32 v35, v41;
	v59 =	vld [tilespmem:s17+$0xB010]  }
0x101: {  	v8 =	vmul.f32 v36, v41;
	v61 =	vld [tilespmem:s20+$0xA800];
	v36 =	vadd.f32 v12, v5;
	v35 =	vadd.f32 v13, v6  }
0x102: {  	v3 =	vadd.f32 v15, v51;
	v4 =	vadd.f32 v4, v52;
	v51 =	vld [tilespmem:s20+$0xB000];
	v2 =	vmul.f32 v11, v33  }
0x103: {  	s19 =	sadd.s32 $0x100, s19;
	v52 =	vadd.f32 v7, v49;
	v50 =	vadd.f32 v8, v50;
	v49 =	vld [tilespmem:s20+$0xB800];
	v62 =	vmul.f32 v16, v33  }
0x104: {  	v5 =	vld [tilespmem:s20+$0xC000]  }
0x105: {  	v6 =	vld [tilespmem:s17+$0xB810]  }
0x106: {  	v8 =	vld [tilespmem:s17+$0xC010]  }
0x107: {  	v9 =	vld [tilespmem:s17+$0xB820]  }
0x108: {  	v10 =	vld [tilespmem:s17+$0xC020]  }
0x109: {  	v3 =	vadd.f32 v57, v3;
	v13 =	vld [tilespmem:s17+$0xB830]  }
0x10a: {  	v4 =	vadd.f32 v60, v4;
	v15 =	vld [tilespmem:s17+$0xC030];
	[tilespmem:$0xD0D0] =	vst v39;
	v16 =	vmul.f32 v58, v33;
	v2 =	vadd.f32 v2, v52  }
0x10b: {  	[tilespmem:$0xD0E0] =	vst v37;
	v7 =	vadd.f32 v62, v50;
	v17 =	vmul.f32 v59, v33;
	v3 =	vadd.f32 v53, v3  }
0x10c: {  	[tilespmem:$0xD0F0] =	vst v36;
	v4 =	vadd.f32 v54, v4;
	v11 =	vmul.f32 v61, v41;
	v2 =	vadd.f32 v55, v2  }
0x10d: {  	[tilespmem:$0xD100] =	vst v35;
	v7 =	vadd.f32 v56, v7;
	v14 =	vmul.f32 v49, v41;
	v5 =	vmul.f32 v5, v41  }
0x10e: {  	[tilespmem:$0xD190] =	vst v1;
	v12 =	vmul.f32 v51, v41;
	v3 =	vadd.f32 v44, v3;
	v6 =	vmul.f32 v6, v33  }
0x10f: {  	[tilespmem:$0xD1A0] =	vst v1;
	v8 =	vmul.f32 v8, v33;
	v14 =	vadd.f32 v14, v47;
	v5 =	vadd.f32 v5, v46  }
0x110: {  	[tilespmem:$0xD1B0] =	vst v1;
	v4 =	vadd.f32 v42, v4;
	v2 =	vadd.f32 v45, v2;
	v39 =	vmul.f32 v10, v30  }
0x111: {  	[tilespmem:$0xD110] =	vst v3;
	v3 =	vmul.f32 v9, v30;
	v6 =	vadd.f32 v6, v14;
	v5 =	vadd.f32 v8, v5  }
0x112: {  	[tilespmem:$0xD1C0] =	vst v1;
	v11 =	vadd.f32 v11, v34;
	v12 =	vadd.f32 v12, v48;
	v42 =	vmul.f32 v15, v29  }
0x113: {  	[tilespmem:$0xD130] =	vst v2;
	v2 =	vmul.f32 v13, v29;
	v3 =	vadd.f32 v3, v6;
	v5 =	vadd.f32 v39, v5  }
0x114: {  	[tilespmem:$0xD1D0] =	vst v1;
	v11 =	vadd.f32 v16, v11;
	v12 =	vadd.f32 v17, v12  }
0x115: {  	[tilespmem:$0xD1E0] =	vst v1;
	v2 =	vadd.f32 v2, v3;
	v3 =	vadd.f32 v42, v5  }
0x116: {  	[tilespmem:$0xD1F0] =	vst v1;
	v11 =	vadd.f32 v43, v11  }
0x117: {  	v7 =	vadd.f32 v40, v7;
	v40 =	vadd.f32 v38, v12;
	[tilespmem:$0xD180] =	vst v3;
	v3 =	vld [tilespmem:$0x1FEF0]  }
0x118: {  	[tilespmem:$0xD120] =	vst v4;
	v41 =	vadd.f32 v32, v11  }
0x119: {  	[tilespmem:$0xD140] =	vst v7;
	v43 =	vadd.f32 v31, v40  }
0x11a: {  	[tilespmem:$0xD150] =	vst v41  }
0x11b: {  	[tilespmem:$0xD160] =	vst v43  }
0x11c: {  	[tilespmem:$0xD170] =	vst v2  }
0x11d: {  	v2 =	vld.idx.msk [tilespmem:v0+s13+$0x0], $0xffff;
	_ =	sdelay $0x1  }
0x11e: {  	v3 =	vld.idx.msk [tilespmem:v3+s13+$0x0], $0xffff  }
0x11f: {  	v44 =	vld [tilespmem:$0x1FF00];
	_ =	sdelay $0x1  }
0x120: {  	v45 =	vld [tilespmem:$0x1FF10];
	v2 =	vadd.f32 $0.0e+00, v2;
	_ =	sdelay $0x1  }
0x121: {  	v2 =	vadd.f32 v3, v2;
	v3 =	vld [tilespmem:$0x1FF20];
	_ =	sdelay $0x3  }
0x122: {  	v4 =	vld.idx.msk [tilespmem:v44+s13+$0x0], $0xffff;
	_ =	sdelay $0x1  }
0x123: {  	v5 =	vld.idx.msk [tilespmem:v45+s13+$0x0], $0xffff;
	_ =	sdelay $0x1  }
0x124: {  	v3 =	vld.idx.msk [tilespmem:v3+s13+$0x0], $0xffff  }
0x125: {  	v46 =	vld [tilespmem:$0x1FF30];
	v2 =	vadd.f32 v4, v2;
	_ =	sdelay $0x1  }
0x126: {  	v47 =	vld [tilespmem:$0x1FF40];
	v2 =	vadd.f32 v5, v2;
	_ =	sdelay $0x1  }
0x127: {  	v2 =	vadd.f32 v3, v2;
	v3 =	vld [tilespmem:$0x1FF50];
	_ =	sdelay $0x3  }
0x128: {  	v4 =	vld.idx.msk [tilespmem:v46+s13+$0x0], $0xffff;
	_ =	sdelay $0x1  }
0x129: {  	v5 =	vld.idx.msk [tilespmem:v47+s13+$0x0], $0xffff;
	_ =	sdelay $0x1  }
0x12a: {  	v3 =	vld.idx.msk [tilespmem:v3+s13+$0x0], $0xffff  }
0x12b: {  	v48 =	vld [tilespmem:$0x1FF60];
	v2 =	vadd.f32 v4, v2;
	_ =	sdelay $0x1  }
0x12c: {  	v49 =	vld [tilespmem:$0x1FF70];
	v2 =	vadd.f32 v5, v2;
	_ =	sdelay $0x1  }
0x12d: {  	v2 =	vadd.f32 v3, v2;
	v3 =	vld [tilespmem:$0x1FF80];
	_ =	sdelay $0x3  }
0x12e: {  	v4 =	vld.idx.msk [tilespmem:v48+s13+$0x0], $0xffff;
	_ =	sdelay $0x1  }
0x12f: {  	v5 =	vld.idx.msk [tilespmem:v49+s13+$0x0], $0xffff;
	_ =	sdelay $0x1  }
0x130: {  	v3 =	vld.idx.msk [tilespmem:v3+s13+$0x0], $0xffff  }
0x131: {  	v50 =	vld [tilespmem:$0x1FF90];
	v2 =	vadd.f32 v4, v2;
	_ =	sdelay $0x1  }
0x132: {  	v51 =	vld [tilespmem:$0x1FFA0];
	v2 =	vadd.f32 v5, v2;
	_ =	sdelay $0x1  }
0x133: {  	v2 =	vadd.f32 v3, v2;
	v3 =	vld [tilespmem:$0x1FFB0];
	_ =	sdelay $0x1  }
0x134: {  	v52 =	vld [tilespmem:$0x1FFC0]  }
0x135: {  	v53 =	vld [tilespmem:$0x1FFD0]  }
0x136: {  	v4 =	vld.idx.msk [tilespmem:v50+s13+$0x0], $0xffff;
	_ =	sdelay $0x1  }
0x137: {  	v5 =	vld.idx.msk [tilespmem:v51+s13+$0x0], $0xffff;
	_ =	sdelay $0x1  }
0x138: {  	v3 =	vld.idx.msk [tilespmem:v3+s13+$0x0], $0xffff  }
0x139: {  	v2 =	vadd.f32 v4, v2  }
0x13a: {  	v4 =	vld.idx.msk [tilespmem:v52+s13+$0x0], $0xffff  }
0x13b: {  	v2 =	vadd.f32 v5, v2  }
0x13c: {  	v5 =	vld.idx.msk [tilespmem:v53+s13+$0x0], $0xffff  }
0x13d: {  	v2 =	vadd.f32 v3, v2;
	_ =	sdelay $0x1  }
0x13e: {  	v2 =	vadd.f32 v4, v2;
	_ =	sdelay $0x1  }
0x13f: {  	v2 =	vadd.f32 v5, v2;
	_ =	sdelay $0x1  }
0x140: {  	[tilespmem:$0xD200] =	vst v2;
	v2 =	vld [tilespmem:$0x1FFE0];
	_ =	sdelay $0x1  }
0x141: {  	v3 =	vld [tilespmem:$0x1FFF0];
	_ =	sdelay $0x5  }
0x142: {  	v2 =	vld.idx.msk [tilespmem:v2+s13+$0x0], $0xffff;
	_ =	sdelay $0x1  }
0x143: {  	v3 =	vld.idx.msk [tilespmem:v3+s13+$0x0], $0xffff;
	_ =	sdelay $0x1  }
0x144: {  	v54 =	vld.idx.msk [tilespmem:v19+s13+$0x0], $0xffff  }
0x145: {  	v2 =	vadd.f32 $0.0e+00, v2  }
0x146: {  	v55 =	vld.idx.msk [tilespmem:v20+s13+$0x0], $0xffff  }
0x147: {  	v2 =	vadd.f32 v3, v2  }
0x148: {  	v3 =	vld.idx.msk [tilespmem:v21+s13+$0x0], $0xffff  }
0x149: {  	v2 =	vadd.f32 v54, v2  }
0x14a: {  	v56 =	vld.idx.msk [tilespmem:v22+s13+$0x0], $0xffff  }
0x14b: {  	v2 =	vadd.f32 v55, v2  }
0x14c: {  	v57 =	vld.idx.msk [tilespmem:v23+s13+$0x0], $0xffff  }
0x14d: {  	v2 =	vadd.f32 v3, v2  }
0x14e: {  	v3 =	vld.idx.msk [tilespmem:v24+s13+$0x0], $0xffff  }
0x14f: {  	v2 =	vadd.f32 v56, v2  }
0x150: {  	v58 =	vld.idx.msk [tilespmem:v25+s13+$0x0], $0xffff  }
0x151: {  	v2 =	vadd.f32 v57, v2  }
0x152: {  	v59 =	vld.idx.msk [tilespmem:v26+s13+$0x0], $0xffff  }
0x153: {  	v2 =	vadd.f32 v3, v2;
	v3 =	vor.u32 $0x10C, v0  }
0x154: {  	v60 =	vld.idx.msk [tilespmem:v27+s13+$0x0], $0xffff  }
0x155: {  	v61 =	vor.u32 $0x10D, v0;
	v2 =	vadd.f32 v58, v2  }
0x156: {  	v7 =	vld.idx.msk [tilespmem:v28+s13+$0x0], $0xffff  }
0x157: {  	v62 =	vor.u32 $0x10E, v0;
	v2 =	vadd.f32 v59, v2  }
0x158: {  	v3 =	vld.idx.msk [tilespmem:v3+s13+$0x0], $0xffff  }
0x159: {  	v63 =	vor.u32 $0x10F, v0;
	v2 =	vadd.f32 v60, v2  }
0x15a: {  	v4 =	vld.idx.msk [tilespmem:v61+s13+$0x0], $0xffff  }
0x15b: {  	v2 =	vadd.f32 v7, v2  }
0x15c: {  	v5 =	vld.idx.msk [tilespmem:v62+s13+$0x0], $0xffff  }
0x15d: {  	v2 =	vadd.f32 v3, v2  }
0x15e: {  	v3 =	vld.idx.msk [tilespmem:v63+s13+$0x0], $0xffff  }
0x15f: {  	v2 =	vadd.f32 v4, v2;
	_ =	sdelay $0x1  }
0x160: {  	v2 =	vadd.f32 v5, v2;
	_ =	sdelay $0x1  }
0x161: {  	s16 =	sadd.s32 $0x1, s16;
	v2 =	vadd.f32 v3, v2  }
0x162: {  	p0 =	sne.s32 s16, s8  }
.Ltmp2:
0x163: {  	[tilespmem:$0xD210] =	vst v2;
	(pc) =	sbr.rel @p0 .LBB2_1-.Ltmp2, $4  }
0x164: {  	[hbm4b:s7+s2] =	stream.linear.scatter [tilespmem:s14], [sflag:$0x4], $0x20, $0x38;
	[tilespmem:$0xD280] =	vst v63  }
0x165: {  	_ =	swait.ge [sflag:s15], $0x20  }
0x166: {  	[sflag:s15] =	ssyncset.done $0x0  }
0x167: {  	[sflag:s15] =	ssyncadd.s32 $0xFFFFFFE0  }
0x168: {  	_ =	sfence.sel $0x180000  }
0x169: {  	[bflag:$0x0] =	sbarrier.arrive $0xFFFF  }
0x16a: {  	p0 =	sne.s32 s0, $0x0;
	_ =	strace $0x90000047  }
0x16b: {  	s0 =	sadd.s32 @!p0 $0x100000, s1;
	[bflag:$0x2] =	sbarrier.arrive $0xFFFF  }
0x16c: {  	[sflag:s0] =	ssyncadd.tile.s32 @!p0 $0x1;
	_ =	shalt  }
.Lfunc_end2:
_tile_overlayer_lowered:
.L_overlay_start_2:
0x16d: {  	(tag) =	ssettag $0x2  }
0x16e: {  	s0 =	rddreg [dreg:$0x0];
	s2 =	stileid.u32  }
0x16f: {  	s1 =	rddreg [dreg:$0x1];
	p0 =	sne.s32 s2, $0x0  }
0x170: {  	s3 =	rddreg [dreg:$0x2];
	[bflag:$0x3] =	sbarrier.arrive $0xFFFF;
	s2 =	simm.s32 @!p0 $0x1C04  }
0x171: {  	[timem:s3], [sflag:s2] =	dma.local @!p0 [hbm:s0], s1  }
0x172: {  	s0 =	simm.s32 @!p0 $0x4  }
0x173: {  	_ =	swait.ge @!p0 [sflag:s0], s1  }
0x174: {  	s1 =	ssub.s32 @!p0 $0x0, s1;
	[sflag:s0] =	ssyncset.done @!p0 $0x0  }
0x175: {  	[sflag:s0] =	ssyncadd.s32 @!p0 s1  }
0x176: {  	[bflag:$0x3] =	sbarrier.arrive $0xFFFF  }
0x177: {  	_ =	shalt  }

</sc_bundles>
